<compile_context>
chip_gen: v7x
topology: tpu7x:2x2x1
jax: 0.10.2.dev20260603
libtpu: 0.0.44.dev20260713+nightly
codegen_flags: <defaults>
</compile_context>

<pallas_src>
import functools

import jax
import jax.numpy as jnp
from jax import lax
from jax.experimental import pallas as pl
from jax.experimental.pallas import tpu as pltpu
from jax.experimental.pallas import tpu_sc as plsc

BATCH = 16384
EMB_DIM = 32
NUM_WORKERS = 32
B_PER_W = BATCH // NUM_WORKERS
IDX_CHUNK = 128
N_CHUNKS = B_PER_W // IDX_CHUNK
GROUPS = B_PER_W // 16
N_USERS = 1000000
N_ITEMS = 100000


def _score_body(x_ref, w_ref, o_ref):
    o_ref[...] = jax.lax.dot_general(
        x_ref[...], w_ref[...],
        dimension_numbers=(((1,), (1,)), ((), ())),
        preferred_element_type=jnp.float32,
    ).reshape(o_ref.shape)


def _scores(table, w_row, blk):
    n = table.shape[0]
    return pl.pallas_call(
        _score_body,
        grid=((n + blk - 1) // blk,),
        in_specs=[
            pl.BlockSpec((blk, EMB_DIM), lambda i: (i, 0)),
            pl.BlockSpec((1, EMB_DIM), lambda i: (0, 0)),
        ],
        out_specs=pl.BlockSpec((blk,), lambda i: (i,)),
        out_shape=jax.ShapeDtypeStruct((n,), jnp.float32),
    )(table, w_row)


def _gather_body(uid_hbm, iid_hbm, us_hbm, is_hbm, bias_hbm, out_hbm,
                 uidx_v, iidx_v, uval_v, ival_v, bias_v, out_v, sem):
    cid = lax.axis_index("c")
    sid = lax.axis_index("s")
    wid = sid * 2 + cid
    base = wid * B_PER_W

    pltpu.sync_copy(bias_hbm, bias_v)
    for c in range(N_CHUNKS):
        pltpu.sync_copy(uid_hbm.at[pl.ds(base + c * IDX_CHUNK, IDX_CHUNK)],
                        uidx_v.at[c])
        pltpu.sync_copy(iid_hbm.at[pl.ds(base + c * IDX_CHUNK, IDX_CHUNK)],
                        iidx_v.at[c])
    copies = []
    for c in range(N_CHUNKS):
        copies.append(pltpu.async_copy(
            us_hbm.at[uidx_v.at[c]],
            uval_v.at[pl.ds(c * IDX_CHUNK, IDX_CHUNK)], sem))
        copies.append(pltpu.async_copy(
            is_hbm.at[iidx_v.at[c]],
            ival_v.at[pl.ds(c * IDX_CHUNK, IDX_CHUNK)], sem))
    for cp in copies:
        cp.wait()

    bias = bias_v[...]

    def group_body(g, _):
        u = uval_v[pl.ds(g * 16, 16)]
        i = ival_v[pl.ds(g * 16, 16)]
        out_v[pl.ds(g * 16, 16)] = u + i + bias
        return 0

    lax.fori_loop(0, GROUPS, group_body, 0)
    pltpu.sync_copy(out_v, out_hbm.at[pl.ds(base, B_PER_W)])


def _gather_scores(user_ids, item_ids, uscore, iscore, bias16):
    mesh = plsc.VectorSubcoreMesh(core_axis_name="c", subcore_axis_name="s")
    kern = functools.partial(
        pl.kernel,
        mesh=mesh,
        compiler_params=pltpu.CompilerParams(
            needs_layout_passes=False, disable_bounds_checks=True,
            skip_device_barrier=True),
        out_type=jax.ShapeDtypeStruct((BATCH,), jnp.float32),
        scratch_types=[
            pltpu.VMEM((N_CHUNKS, IDX_CHUNK), jnp.int32),
            pltpu.VMEM((N_CHUNKS, IDX_CHUNK), jnp.int32),
            pltpu.VMEM((B_PER_W,), jnp.float32),
            pltpu.VMEM((B_PER_W,), jnp.float32),
            pltpu.VMEM((16,), jnp.float32),
            pltpu.VMEM((B_PER_W,), jnp.float32),
            pltpu.SemaphoreType.DMA,
        ],
    )(_gather_body)
    return kern(user_ids, item_ids, uscore, iscore, bias16)


@jax.jit
def _ncf(user_ids, item_ids, user_table, item_table, W, b):
    wu = W[:EMB_DIM, 0].reshape(1, EMB_DIM)
    wi = W[EMB_DIM:, 0].reshape(1, EMB_DIM)
    uscore = _scores(user_table, wu, 8192)
    iscore = _scores(item_table, wi, 8192)
    bias16 = jnp.broadcast_to(b, (16,))
    out = _gather_scores(user_ids.astype(jnp.int32),
                         item_ids.astype(jnp.int32),
                         uscore, iscore, bias16)
    return out.reshape(BATCH, 1)


def kernel(user_ids, item_ids, user_table, item_table, W, b):
    return _ncf(user_ids, item_ids, user_table, item_table, W, b)

# --- scband reference (transcript-rebuilt; emitter-appended) ---
"""Pipeline reference for scband-simple-ncf-66383014527478 (READ-ONLY COPY).

The authoritative reference and input builder live on the scoring server;
editing this copy changes nothing except your own understanding.
"""

import jax, jax.numpy as jnp
import numpy as np

N_USERS = 1000000
N_ITEMS = 100000
EMB_DIM = 32
BATCH = 16384

def setup_inputs(seed: int = 0) -> dict:
    key = jax.random.key(seed)
    k1, k2, k3, k4, k5, k6 = jax.random.split(key, 6)
    user_ids = jax.random.randint(k1, (BATCH,), 0, N_USERS, dtype=jnp.int64 if jax.config.jax_enable_x64 else jnp.int32)
    item_ids = jax.random.randint(k2, (BATCH,), 0, N_ITEMS, dtype=jnp.int64 if jax.config.jax_enable_x64 else jnp.int32)
    user_table = jax.random.normal(k3, (N_USERS, EMB_DIM), dtype=jnp.float32)
    item_table = jax.random.normal(k4, (N_ITEMS, EMB_DIM), dtype=jnp.float32)
    W = jax.random.normal(k5, (2 * EMB_DIM, 1), dtype=jnp.float32) * (1.0 / jnp.sqrt(2.0 * EMB_DIM))
    b = jax.random.normal(k6, (1,), dtype=jnp.float32) * 0.01
    return {"user_ids": user_ids, "item_ids": item_ids, "user_table": user_table, "item_table": item_table, "W": W, "b": b}

def reference(user_ids, item_ids, user_table, item_table, W, b):
    u_emb = jnp.take(user_table, user_ids, axis=0)
    i_emb = jnp.take(item_table, item_ids, axis=0)
    x = jnp.concatenate([u_emb, i_emb], axis=1)
    output = x @ W + b
    return output

if __name__ == "__main__":
    import jax
    _d = setup_inputs()
    print(jax.jit(kernel)(*tuple(_d.values())))

</pallas_src>

<mosaic_0001>
#map = affine_map<(d0, d1) -> (0)>
module attributes {stable_mosaic.version = 14 : i64} {
  func.func @_gather_body(%arg0: i32, %arg1: i32, %arg2: memref<16384xi32, #tpu.memory_space<hbm>>, %arg3: memref<16384xi32, #tpu.memory_space<hbm>>, %arg4: memref<1000000xf32, #tpu.memory_space<hbm>>, %arg5: memref<100000xf32, #tpu.memory_space<hbm>>, %arg6: memref<16xf32, #tpu.memory_space<hbm>>, %arg7: memref<16384xf32, #tpu.memory_space<hbm>>, %arg8: memref<4x128xi32, #tpu.memory_space<vmem>>, %arg9: memref<4x128xi32, #tpu.memory_space<vmem>>, %arg10: memref<512xf32, #tpu.memory_space<vmem>>, %arg11: memref<512xf32, #tpu.memory_space<vmem>>, %arg12: memref<16xf32, #tpu.memory_space<vmem>>, %arg13: memref<512xf32, #tpu.memory_space<vmem>>, %arg14: memref<!tpu.dma_semaphore, #tpu.memory_space<semaphore_mem>>) attributes {dimension_semantics = [#tpu.dimension_semantics<core_parallel>, #tpu.dimension_semantics<subcore_parallel>], iteration_bounds = array<i64: 2, 16>, scalar_prefetch = 0 : i64, scratch_operands = 7 : i64, tpu.core_type = #tpu.core_type<sc_vector_subcore>, window_params = [{transform_indices = #map}, {transform_indices = #map}, {transform_indices = #map}, {transform_indices = #map}, {transform_indices = #map}, {transform_indices = #map}]} {
    %mul3A = arith.constant 2 : i32
    %mul3A_0 = arith.muli %arg1, %mul3A : i32
    %add3A = arith.addi %mul3A_0, %arg0 : i32
    %mul3A_1 = arith.constant 512 : i32
    %mul3A_2 = arith.muli %add3A, %mul3A_1 : i32
    "tpu.region"() ({
      %run_scoped3A_159 = tpu.sem_alloc : memref<!tpu.dma_semaphore, #tpu.memory_space<semaphore_mem>>
      tpu.enqueue_dma source(%arg6 : memref<16xf32, #tpu.memory_space<hbm>>) target(%arg12 : memref<16xf32, #tpu.memory_space<vmem>>) target_semaphore(%run_scoped3A_159 : memref<!tpu.dma_semaphore, #tpu.memory_space<semaphore_mem>>)
      tpu.wait_dma2 semaphore(%run_scoped3A_159 : memref<!tpu.dma_semaphore, #tpu.memory_space<semaphore_mem>>) src(%arg6 : memref<16xf32, #tpu.memory_space<hbm>>) dst(%arg12 : memref<16xf32, #tpu.memory_space<vmem>>)
      tpu.yield
    }) : () -> ()
    %add3A_3 = arith.constant 0 : i32
    %add3A_4 = arith.addi %mul3A_2, %add3A_3 : i32
    %run_scoped3A = arith.constant 0 : i32
    "tpu.region"() ({
      %run_scoped3A_159 = tpu.sem_alloc : memref<!tpu.dma_semaphore, #tpu.memory_space<semaphore_mem>>
      %dma_start3A_160 = arith.constant 0 : i32
      %dma_start3A_161 = tpu.memref_slice %arg8[%run_scoped3A, %dma_start3A_160] : memref<4x128xi32, #tpu.memory_space<vmem>> -> memref<1x128xi32, #tpu.memory_space<vmem>>
      %dma_start3A_162 = tpu.memref_squeeze %dma_start3A_161 : memref<1x128xi32, #tpu.memory_space<vmem>> -> memref<128xi32, #tpu.memory_space<vmem>>
      %dma_start3A_163 = tpu.memref_slice %arg2[%add3A_4] : memref<16384xi32, #tpu.memory_space<hbm>> -> memref<128xi32, #tpu.memory_space<hbm>>
      %dma_start3A_164 = arith.constant 0 : i32
      %dma_start3A_165 = tpu.memref_slice %arg8[%run_scoped3A, %dma_start3A_164] : memref<4x128xi32, #tpu.memory_space<vmem>> -> memref<1x128xi32, #tpu.memory_space<vmem>>
      %dma_start3A_166 = tpu.memref_squeeze %dma_start3A_165 : memref<1x128xi32, #tpu.memory_space<vmem>> -> memref<128xi32, #tpu.memory_space<vmem>>
      %dma_start3A_167 = tpu.memref_slice %arg2[%add3A_4] : memref<16384xi32, #tpu.memory_space<hbm>> -> memref<128xi32, #tpu.memory_space<hbm>>
      tpu.enqueue_dma source(%dma_start3A_167 : memref<128xi32, #tpu.memory_space<hbm>>) target(%dma_start3A_166 : memref<128xi32, #tpu.memory_space<vmem>>) target_semaphore(%run_scoped3A_159 : memref<!tpu.dma_semaphore, #tpu.memory_space<semaphore_mem>>)
      %dma_wait3A_168 = arith.constant 0 : i32
      %dma_wait3A_169 = tpu.memref_slice %arg8[%run_scoped3A, %dma_wait3A_168] : memref<4x128xi32, #tpu.memory_space<vmem>> -> memref<1x128xi32, #tpu.memory_space<vmem>>
      %dma_wait3A_170 = tpu.memref_squeeze %dma_wait3A_169 : memref<1x128xi32, #tpu.memory_space<vmem>> -> memref<128xi32, #tpu.memory_space<vmem>>
      %dma_wait3A_171 = tpu.memref_slice %arg2[%add3A_4] : memref<16384xi32, #tpu.memory_space<hbm>> -> memref<128xi32, #tpu.memory_space<hbm>>
      %dma_wait3A_172 = arith.constant 0 : i32
      %dma_wait3A_173 = tpu.memref_slice %arg8[%run_scoped3A, %dma_wait3A_172] : memref<4x128xi32, #tpu.memory_space<vmem>> -> memref<1x128xi32, #tpu.memory_space<vmem>>
      %dma_wait3A_174 = tpu.memref_squeeze %dma_wait3A_173 : memref<1x128xi32, #tpu.memory_space<vmem>> -> memref<128xi32, #tpu.memory_space<vmem>>
      %dma_wait3A_175 = tpu.memref_slice %arg2[%add3A_4] : memref<16384xi32, #tpu.memory_space<hbm>> -> memref<128xi32, #tpu.memory_space<hbm>>
      tpu.wait_dma2 semaphore(%run_scoped3A_159 : memref<!tpu.dma_semaphore, #tpu.memory_space<semaphore_mem>>) src(%dma_wait3A_175 : memref<128xi32, #tpu.memory_space<hbm>>) dst(%dma_wait3A_174 : memref<128xi32, #tpu.memory_space<vmem>>)
      tpu.yield
    }) : () -> ()
    %add3A_5 = arith.constant 0 : i32
    %add3A_6 = arith.addi %mul3A_2, %add3A_5 : i32
    %run_scoped3A_7 = arith.constant 0 : i32
    "tpu.region"() ({
      %run_scoped3A_159 = tpu.sem_alloc : memref<!tpu.dma_semaphore, #tpu.memory_space<semaphore_mem>>
      %dma_start3A_160 = arith.constant 0 : i32
      %dma_start3A_161 = tpu.memref_slice %arg9[%run_scoped3A_7, %dma_start3A_160] : memref<4x128xi32, #tpu.memory_space<vmem>> -> memref<1x128xi32, #tpu.memory_space<vmem>>
      %dma_start3A_162 = tpu.memref_squeeze %dma_start3A_161 : memref<1x128xi32, #tpu.memory_space<vmem>> -> memref<128xi32, #tpu.memory_space<vmem>>
      %dma_start3A_163 = tpu.memref_slice %arg3[%add3A_6] : memref<16384xi32, #tpu.memory_space<hbm>> -> memref<128xi32, #tpu.memory_space<hbm>>
      %dma_start3A_164 = arith.constant 0 : i32
      %dma_start3A_165 = tpu.memref_slice %arg9[%run_scoped3A_7, %dma_start3A_164] : memref<4x128xi32, #tpu.memory_space<vmem>> -> memref<1x128xi32, #tpu.memory_space<vmem>>
      %dma_start3A_166 = tpu.memref_squeeze %dma_start3A_165 : memref<1x128xi32, #tpu.memory_space<vmem>> -> memref<128xi32, #tpu.memory_space<vmem>>
      %dma_start3A_167 = tpu.memref_slice %arg3[%add3A_6] : memref<16384xi32, #tpu.memory_space<hbm>> -> memref<128xi32, #tpu.memory_space<hbm>>
      tpu.enqueue_dma source(%dma_start3A_167 : memref<128xi32, #tpu.memory_space<hbm>>) target(%dma_start3A_166 : memref<128xi32, #tpu.memory_space<vmem>>) target_semaphore(%run_scoped3A_159 : memref<!tpu.dma_semaphore, #tpu.memory_space<semaphore_mem>>)
      %dma_wait3A_168 = arith.constant 0 : i32
      %dma_wait3A_169 = tpu.memref_slice %arg9[%run_scoped3A_7, %dma_wait3A_168] : memref<4x128xi32, #tpu.memory_space<vmem>> -> memref<1x128xi32, #tpu.memory_space<vmem>>
      %dma_wait3A_170 = tpu.memref_squeeze %dma_wait3A_169 : memref<1x128xi32, #tpu.memory_space<vmem>> -> memref<128xi32, #tpu.memory_space<vmem>>
      %dma_wait3A_171 = tpu.memref_slice %arg3[%add3A_6] : memref<16384xi32, #tpu.memory_space<hbm>> -> memref<128xi32, #tpu.memory_space<hbm>>
      %dma_wait3A_172 = arith.constant 0 : i32
      %dma_wait3A_173 = tpu.memref_slice %arg9[%run_scoped3A_7, %dma_wait3A_172] : memref<4x128xi32, #tpu.memory_space<vmem>> -> memref<1x128xi32, #tpu.memory_space<vmem>>
      %dma_wait3A_174 = tpu.memref_squeeze %dma_wait3A_173 : memref<1x128xi32, #tpu.memory_space<vmem>> -> memref<128xi32, #tpu.memory_space<vmem>>
      %dma_wait3A_175 = tpu.memref_slice %arg3[%add3A_6] : memref<16384xi32, #tpu.memory_space<hbm>> -> memref<128xi32, #tpu.memory_space<hbm>>
      tpu.wait_dma2 semaphore(%run_scoped3A_159 : memref<!tpu.dma_semaphore, #tpu.memory_space<semaphore_mem>>) src(%dma_wait3A_175 : memref<128xi32, #tpu.memory_space<hbm>>) dst(%dma_wait3A_174 : memref<128xi32, #tpu.memory_space<vmem>>)
      tpu.yield
    }) : () -> ()
    %add3A_8 = arith.constant 128 : i32
    %add3A_9 = arith.addi %mul3A_2, %add3A_8 : i32
    %run_scoped3A_10 = arith.constant 1 : i32
    "tpu.region"() ({
      %run_scoped3A_159 = tpu.sem_alloc : memref<!tpu.dma_semaphore, #tpu.memory_space<semaphore_mem>>
      %dma_start3A_160 = arith.constant 0 : i32
      %dma_start3A_161 = tpu.memref_slice %arg8[%run_scoped3A_10, %dma_start3A_160] : memref<4x128xi32, #tpu.memory_space<vmem>> -> memref<1x128xi32, #tpu.memory_space<vmem>>
      %dma_start3A_162 = tpu.memref_squeeze %dma_start3A_161 : memref<1x128xi32, #tpu.memory_space<vmem>> -> memref<128xi32, #tpu.memory_space<vmem>>
      %dma_start3A_163 = tpu.memref_slice %arg2[%add3A_9] : memref<16384xi32, #tpu.memory_space<hbm>> -> memref<128xi32, #tpu.memory_space<hbm>>
      %dma_start3A_164 = arith.constant 0 : i32
      %dma_start3A_165 = tpu.memref_slice %arg8[%run_scoped3A_10, %dma_start3A_164] : memref<4x128xi32, #tpu.memory_space<vmem>> -> memref<1x128xi32, #tpu.memory_space<vmem>>
      %dma_start3A_166 = tpu.memref_squeeze %dma_start3A_165 : memref<1x128xi32, #tpu.memory_space<vmem>> -> memref<128xi32, #tpu.memory_space<vmem>>
      %dma_start3A_167 = tpu.memref_slice %arg2[%add3A_9] : memref<16384xi32, #tpu.memory_space<hbm>> -> memref<128xi32, #tpu.memory_space<hbm>>
      tpu.enqueue_dma source(%dma_start3A_167 : memref<128xi32, #tpu.memory_space<hbm>>) target(%dma_start3A_166 : memref<128xi32, #tpu.memory_space<vmem>>) target_semaphore(%run_scoped3A_159 : memref<!tpu.dma_semaphore, #tpu.memory_space<semaphore_mem>>)
      %dma_wait3A_168 = arith.constant 0 : i32
      %dma_wait3A_169 = tpu.memref_slice %arg8[%run_scoped3A_10, %dma_wait3A_168] : memref<4x128xi32, #tpu.memory_space<vmem>> -> memref<1x128xi32, #tpu.memory_space<vmem>>
      %dma_wait3A_170 = tpu.memref_squeeze %dma_wait3A_169 : memref<1x128xi32, #tpu.memory_space<vmem>> -> memref<128xi32, #tpu.memory_space<vmem>>
      %dma_wait3A_171 = tpu.memref_slice %arg2[%add3A_9] : memref<16384xi32, #tpu.memory_space<hbm>> -> memref<128xi32, #tpu.memory_space<hbm>>
      %dma_wait3A_172 = arith.constant 0 : i32
      %dma_wait3A_173 = tpu.memref_slice %arg8[%run_scoped3A_10, %dma_wait3A_172] : memref<4x128xi32, #tpu.memory_space<vmem>> -> memref<1x128xi32, #tpu.memory_space<vmem>>
      %dma_wait3A_174 = tpu.memref_squeeze %dma_wait3A_173 : memref<1x128xi32, #tpu.memory_space<vmem>> -> memref<128xi32, #tpu.memory_space<vmem>>
      %dma_wait3A_175 = tpu.memref_slice %arg2[%add3A_9] : memref<16384xi32, #tpu.memory_space<hbm>> -> memref<128xi32, #tpu.memory_space<hbm>>
      tpu.wait_dma2 semaphore(%run_scoped3A_159 : memref<!tpu.dma_semaphore, #tpu.memory_space<semaphore_mem>>) src(%dma_wait3A_175 : memref<128xi32, #tpu.memory_space<hbm>>) dst(%dma_wait3A_174 : memref<128xi32, #tpu.memory_space<vmem>>)
      tpu.yield
    }) : () -> ()
    %add3A_11 = arith.constant 128 : i32
    %add3A_12 = arith.addi %mul3A_2, %add3A_11 : i32
    %run_scoped3A_13 = arith.constant 1 : i32
    "tpu.region"() ({
      %run_scoped3A_159 = tpu.sem_alloc : memref<!tpu.dma_semaphore, #tpu.memory_space<semaphore_mem>>
      %dma_start3A_160 = arith.constant 0 : i32
      %dma_start3A_161 = tpu.memref_slice %arg9[%run_scoped3A_13, %dma_start3A_160] : memref<4x128xi32, #tpu.memory_space<vmem>> -> memref<1x128xi32, #tpu.memory_space<vmem>>
      %dma_start3A_162 = tpu.memref_squeeze %dma_start3A_161 : memref<1x128xi32, #tpu.memory_space<vmem>> -> memref<128xi32, #tpu.memory_space<vmem>>
      %dma_start3A_163 = tpu.memref_slice %arg3[%add3A_12] : memref<16384xi32, #tpu.memory_space<hbm>> -> memref<128xi32, #tpu.memory_space<hbm>>
      %dma_start3A_164 = arith.constant 0 : i32
      %dma_start3A_165 = tpu.memref_slice %arg9[%run_scoped3A_13, %dma_start3A_164] : memref<4x128xi32, #tpu.memory_space<vmem>> -> memref<1x128xi32, #tpu.memory_space<vmem>>
      %dma_start3A_166 = tpu.memref_squeeze %dma_start3A_165 : memref<1x128xi32, #tpu.memory_space<vmem>> -> memref<128xi32, #tpu.memory_space<vmem>>
      %dma_start3A_167 = tpu.memref_slice %arg3[%add3A_12] : memref<16384xi32, #tpu.memory_space<hbm>> -> memref<128xi32, #tpu.memory_space<hbm>>
      tpu.enqueue_dma source(%dma_start3A_167 : memref<128xi32, #tpu.memory_space<hbm>>) target(%dma_start3A_166 : memref<128xi32, #tpu.memory_space<vmem>>) target_semaphore(%run_scoped3A_159 : memref<!tpu.dma_semaphore, #tpu.memory_space<semaphore_mem>>)
      %dma_wait3A_168 = arith.constant 0 : i32
      %dma_wait3A_169 = tpu.memref_slice %arg9[%run_scoped3A_13, %dma_wait3A_168] : memref<4x128xi32, #tpu.memory_space<vmem>> -> memref<1x128xi32, #tpu.memory_space<vmem>>
      %dma_wait3A_170 = tpu.memref_squeeze %dma_wait3A_169 : memref<1x128xi32, #tpu.memory_space<vmem>> -> memref<128xi32, #tpu.memory_space<vmem>>
      %dma_wait3A_171 = tpu.memref_slice %arg3[%add3A_12] : memref<16384xi32, #tpu.memory_space<hbm>> -> memref<128xi32, #tpu.memory_space<hbm>>
      %dma_wait3A_172 = arith.constant 0 : i32
      %dma_wait3A_173 = tpu.memref_slice %arg9[%run_scoped3A_13, %dma_wait3A_172] : memref<4x128xi32, #tpu.memory_space<vmem>> -> memref<1x128xi32, #tpu.memory_space<vmem>>
      %dma_wait3A_174 = tpu.memref_squeeze %dma_wait3A_173 : memref<1x128xi32, #tpu.memory_space<vmem>> -> memref<128xi32, #tpu.memory_space<vmem>>
      %dma_wait3A_175 = tpu.memref_slice %arg3[%add3A_12] : memref<16384xi32, #tpu.memory_space<hbm>> -> memref<128xi32, #tpu.memory_space<hbm>>
      tpu.wait_dma2 semaphore(%run_scoped3A_159 : memref<!tpu.dma_semaphore, #tpu.memory_space<semaphore_mem>>) src(%dma_wait3A_175 : memref<128xi32, #tpu.memory_space<hbm>>) dst(%dma_wait3A_174 : memref<128xi32, #tpu.memory_space<vmem>>)
      tpu.yield
    }) : () -> ()
    %add3A_14 = arith.constant 256 : i32
    %add3A_15 = arith.addi %mul3A_2, %add3A_14 : i32
    %run_scoped3A_16 = arith.constant 2 : i32
    "tpu.region"() ({
      %run_scoped3A_159 = tpu.sem_alloc : memref<!tpu.dma_semaphore, #tpu.memory_space<semaphore_mem>>
      %dma_start3A_160 = arith.constant 0 : i32
      %dma_start3A_161 = tpu.memref_slice %arg8[%run_scoped3A_16, %dma_start3A_160] : memref<4x128xi32, #tpu.memory_space<vmem>> -> memref<1x128xi32, #tpu.memory_space<vmem>>
      %dma_start3A_162 = tpu.memref_squeeze %dma_start3A_161 : memref<1x128xi32, #tpu.memory_space<vmem>> -> memref<128xi32, #tpu.memory_space<vmem>>
      %dma_start3A_163 = tpu.memref_slice %arg2[%add3A_15] : memref<16384xi32, #tpu.memory_space<hbm>> -> memref<128xi32, #tpu.memory_space<hbm>>
      %dma_start3A_164 = arith.constant 0 : i32
      %dma_start3A_165 = tpu.memref_slice %arg8[%run_scoped3A_16, %dma_start3A_164] : memref<4x128xi32, #tpu.memory_space<vmem>> -> memref<1x128xi32, #tpu.memory_space<vmem>>
      %dma_start3A_166 = tpu.memref_squeeze %dma_start3A_165 : memref<1x128xi32, #tpu.memory_space<vmem>> -> memref<128xi32, #tpu.memory_space<vmem>>
      %dma_start3A_167 = tpu.memref_slice %arg2[%add3A_15] : memref<16384xi32, #tpu.memory_space<hbm>> -> memref<128xi32, #tpu.memory_space<hbm>>
      tpu.enqueue_dma source(%dma_start3A_167 : memref<128xi32, #tpu.memory_space<hbm>>) target(%dma_start3A_166 : memref<128xi32, #tpu.memory_space<vmem>>) target_semaphore(%run_scoped3A_159 : memref<!tpu.dma_semaphore, #tpu.memory_space<semaphore_mem>>)
      %dma_wait3A_168 = arith.constant 0 : i32
      %dma_wait3A_169 = tpu.memref_slice %arg8[%run_scoped3A_16, %dma_wait3A_168] : memref<4x128xi32, #tpu.memory_space<vmem>> -> memref<1x128xi32, #tpu.memory_space<vmem>>
      %dma_wait3A_170 = tpu.memref_squeeze %dma_wait3A_169 : memref<1x128xi32, #tpu.memory_space<vmem>> -> memref<128xi32, #tpu.memory_space<vmem>>
      %dma_wait3A_171 = tpu.memref_slice %arg2[%add3A_15] : memref<16384xi32, #tpu.memory_space<hbm>> -> memref<128xi32, #tpu.memory_space<hbm>>
      %dma_wait3A_172 = arith.constant 0 : i32
      %dma_wait3A_173 = tpu.memref_slice %arg8[%run_scoped3A_16, %dma_wait3A_172] : memref<4x128xi32, #tpu.memory_space<vmem>> -> memref<1x128xi32, #tpu.memory_space<vmem>>
      %dma_wait3A_174 = tpu.memref_squeeze %dma_wait3A_173 : memref<1x128xi32, #tpu.memory_space<vmem>> -> memref<128xi32, #tpu.memory_space<vmem>>
      %dma_wait3A_175 = tpu.memref_slice %arg2[%add3A_15] : memref<16384xi32, #tpu.memory_space<hbm>> -> memref<128xi32, #tpu.memory_space<hbm>>
      tpu.wait_dma2 semaphore(%run_scoped3A_159 : memref<!tpu.dma_semaphore, #tpu.memory_space<semaphore_mem>>) src(%dma_wait3A_175 : memref<128xi32, #tpu.memory_space<hbm>>) dst(%dma_wait3A_174 : memref<128xi32, #tpu.memory_space<vmem>>)
      tpu.yield
    }) : () -> ()
    %add3A_17 = arith.constant 256 : i32
    %add3A_18 = arith.addi %mul3A_2, %add3A_17 : i32
    %run_scoped3A_19 = arith.constant 2 : i32
    "tpu.region"() ({
      %run_scoped3A_159 = tpu.sem_alloc : memref<!tpu.dma_semaphore, #tpu.memory_space<semaphore_mem>>
      %dma_start3A_160 = arith.constant 0 : i32
      %dma_start3A_161 = tpu.memref_slice %arg9[%run_scoped3A_19, %dma_start3A_160] : memref<4x128xi32, #tpu.memory_space<vmem>> -> memref<1x128xi32, #tpu.memory_space<vmem>>
      %dma_start3A_162 = tpu.memref_squeeze %dma_start3A_161 : memref<1x128xi32, #tpu.memory_space<vmem>> -> memref<128xi32, #tpu.memory_space<vmem>>
      %dma_start3A_163 = tpu.memref_slice %arg3[%add3A_18] : memref<16384xi32, #tpu.memory_space<hbm>> -> memref<128xi32, #tpu.memory_space<hbm>>
      %dma_start3A_164 = arith.constant 0 : i32
      %dma_start3A_165 = tpu.memref_slice %arg9[%run_scoped3A_19, %dma_start3A_164] : memref<4x128xi32, #tpu.memory_space<vmem>> -> memref<1x128xi32, #tpu.memory_space<vmem>>
      %dma_start3A_166 = tpu.memref_squeeze %dma_start3A_165 : memref<1x128xi32, #tpu.memory_space<vmem>> -> memref<128xi32, #tpu.memory_space<vmem>>
      %dma_start3A_167 = tpu.memref_slice %arg3[%add3A_18] : memref<16384xi32, #tpu.memory_space<hbm>> -> memref<128xi32, #tpu.memory_space<hbm>>
      tpu.enqueue_dma source(%dma_start3A_167 : memref<128xi32, #tpu.memory_space<hbm>>) target(%dma_start3A_166 : memref<128xi32, #tpu.memory_space<vmem>>) target_semaphore(%run_scoped3A_159 : memref<!tpu.dma_semaphore, #tpu.memory_space<semaphore_mem>>)
      %dma_wait3A_168 = arith.constant 0 : i32
      %dma_wait3A_169 = tpu.memref_slice %arg9[%run_scoped3A_19, %dma_wait3A_168] : memref<4x128xi32, #tpu.memory_space<vmem>> -> memref<1x128xi32, #tpu.memory_space<vmem>>
      %dma_wait3A_170 = tpu.memref_squeeze %dma_wait3A_169 : memref<1x128xi32, #tpu.memory_space<vmem>> -> memref<128xi32, #tpu.memory_space<vmem>>
      %dma_wait3A_171 = tpu.memref_slice %arg3[%add3A_18] : memref<16384xi32, #tpu.memory_space<hbm>> -> memref<128xi32, #tpu.memory_space<hbm>>
      %dma_wait3A_172 = arith.constant 0 : i32
      %dma_wait3A_173 = tpu.memref_slice %arg9[%run_scoped3A_19, %dma_wait3A_172] : memref<4x128xi32, #tpu.memory_space<vmem>> -> memref<1x128xi32, #tpu.memory_space<vmem>>
      %dma_wait3A_174 = tpu.memref_squeeze %dma_wait3A_173 : memref<1x128xi32, #tpu.memory_space<vmem>> -> memref<128xi32, #tpu.memory_space<vmem>>
      %dma_wait3A_175 = tpu.memref_slice %arg3[%add3A_18] : memref<16384xi32, #tpu.memory_space<hbm>> -> memref<128xi32, #tpu.memory_space<hbm>>
      tpu.wait_dma2 semaphore(%run_scoped3A_159 : memref<!tpu.dma_semaphore, #tpu.memory_space<semaphore_mem>>) src(%dma_wait3A_175 : memref<128xi32, #tpu.memory_space<hbm>>) dst(%dma_wait3A_174 : memref<128xi32, #tpu.memory_space<vmem>>)
      tpu.yield
    }) : () -> ()
    %add3A_20 = arith.constant 384 : i32
    %add3A_21 = arith.addi %mul3A_2, %add3A_20 : i32
    %run_scoped3A_22 = arith.constant 3 : i32
    "tpu.region"() ({
      %run_scoped3A_159 = tpu.sem_alloc : memref<!tpu.dma_semaphore, #tpu.memory_space<semaphore_mem>>
      %dma_start3A_160 = arith.constant 0 : i32
      %dma_start3A_161 = tpu.memref_slice %arg8[%run_scoped3A_22, %dma_start3A_160] : memref<4x128xi32, #tpu.memory_space<vmem>> -> memref<1x128xi32, #tpu.memory_space<vmem>>
      %dma_start3A_162 = tpu.memref_squeeze %dma_start3A_161 : memref<1x128xi32, #tpu.memory_space<vmem>> -> memref<128xi32, #tpu.memory_space<vmem>>
      %dma_start3A_163 = tpu.memref_slice %arg2[%add3A_21] : memref<16384xi32, #tpu.memory_space<hbm>> -> memref<128xi32, #tpu.memory_space<hbm>>
      %dma_start3A_164 = arith.constant 0 : i32
      %dma_start3A_165 = tpu.memref_slice %arg8[%run_scoped3A_22, %dma_start3A_164] : memref<4x128xi32, #tpu.memory_space<vmem>> -> memref<1x128xi32, #tpu.memory_space<vmem>>
      %dma_start3A_166 = tpu.memref_squeeze %dma_start3A_165 : memref<1x128xi32, #tpu.memory_space<vmem>> -> memref<128xi32, #tpu.memory_space<vmem>>
      %dma_start3A_167 = tpu.memref_slice %arg2[%add3A_21] : memref<16384xi32, #tpu.memory_space<hbm>> -> memref<128xi32, #tpu.memory_space<hbm>>
      tpu.enqueue_dma source(%dma_start3A_167 : memref<128xi32, #tpu.memory_space<hbm>>) target(%dma_start3A_166 : memref<128xi32, #tpu.memory_space<vmem>>) target_semaphore(%run_scoped3A_159 : memref<!tpu.dma_semaphore, #tpu.memory_space<semaphore_mem>>)
      %dma_wait3A_168 = arith.constant 0 : i32
      %dma_wait3A_169 = tpu.memref_slice %arg8[%run_scoped3A_22, %dma_wait3A_168] : memref<4x128xi32, #tpu.memory_space<vmem>> -> memref<1x128xi32, #tpu.memory_space<vmem>>
      %dma_wait3A_170 = tpu.memref_squeeze %dma_wait3A_169 : memref<1x128xi32, #tpu.memory_space<vmem>> -> memref<128xi32, #tpu.memory_space<vmem>>
      %dma_wait3A_171 = tpu.memref_slice %arg2[%add3A_21] : memref<16384xi32, #tpu.memory_space<hbm>> -> memref<128xi32, #tpu.memory_space<hbm>>
      %dma_wait3A_172 = arith.constant 0 : i32
      %dma_wait3A_173 = tpu.memref_slice %arg8[%run_scoped3A_22, %dma_wait3A_172] : memref<4x128xi32, #tpu.memory_space<vmem>> -> memref<1x128xi32, #tpu.memory_space<vmem>>
      %dma_wait3A_174 = tpu.memref_squeeze %dma_wait3A_173 : memref<1x128xi32, #tpu.memory_space<vmem>> -> memref<128xi32, #tpu.memory_space<vmem>>
      %dma_wait3A_175 = tpu.memref_slice %arg2[%add3A_21] : memref<16384xi32, #tpu.memory_space<hbm>> -> memref<128xi32, #tpu.memory_space<hbm>>
      tpu.wait_dma2 semaphore(%run_scoped3A_159 : memref<!tpu.dma_semaphore, #tpu.memory_space<semaphore_mem>>) src(%dma_wait3A_175 : memref<128xi32, #tpu.memory_space<hbm>>) dst(%dma_wait3A_174 : memref<128xi32, #tpu.memory_space<vmem>>)
      tpu.yield
    }) : () -> ()
    %add3A_23 = arith.constant 384 : i32
    %add3A_24 = arith.addi %mul3A_2, %add3A_23 : i32
    %run_scoped3A_25 = arith.constant 3 : i32
    "tpu.region"() ({
      %run_scoped3A_159 = tpu.sem_alloc : memref<!tpu.dma_semaphore, #tpu.memory_space<semaphore_mem>>
      %dma_start3A_160 = arith.constant 0 : i32
      %dma_start3A_161 = tpu.memref_slice %arg9[%run_scoped3A_25, %dma_start3A_160] : memref<4x128xi32, #tpu.memory_space<vmem>> -> memref<1x128xi32, #tpu.memory_space<vmem>>
      %dma_start3A_162 = tpu.memref_squeeze %dma_start3A_161 : memref<1x128xi32, #tpu.memory_space<vmem>> -> memref<128xi32, #tpu.memory_space<vmem>>
      %dma_start3A_163 = tpu.memref_slice %arg3[%add3A_24] : memref<16384xi32, #tpu.memory_space<hbm>> -> memref<128xi32, #tpu.memory_space<hbm>>
      %dma_start3A_164 = arith.constant 0 : i32
      %dma_start3A_165 = tpu.memref_slice %arg9[%run_scoped3A_25, %dma_start3A_164] : memref<4x128xi32, #tpu.memory_space<vmem>> -> memref<1x128xi32, #tpu.memory_space<vmem>>
      %dma_start3A_166 = tpu.memref_squeeze %dma_start3A_165 : memref<1x128xi32, #tpu.memory_space<vmem>> -> memref<128xi32, #tpu.memory_space<vmem>>
      %dma_start3A_167 = tpu.memref_slice %arg3[%add3A_24] : memref<16384xi32, #tpu.memory_space<hbm>> -> memref<128xi32, #tpu.memory_space<hbm>>
      tpu.enqueue_dma source(%dma_start3A_167 : memref<128xi32, #tpu.memory_space<hbm>>) target(%dma_start3A_166 : memref<128xi32, #tpu.memory_space<vmem>>) target_semaphore(%run_scoped3A_159 : memref<!tpu.dma_semaphore, #tpu.memory_space<semaphore_mem>>)
      %dma_wait3A_168 = arith.constant 0 : i32
      %dma_wait3A_169 = tpu.memref_slice %arg9[%run_scoped3A_25, %dma_wait3A_168] : memref<4x128xi32, #tpu.memory_space<vmem>> -> memref<1x128xi32, #tpu.memory_space<vmem>>
      %dma_wait3A_170 = tpu.memref_squeeze %dma_wait3A_169 : memref<1x128xi32, #tpu.memory_space<vmem>> -> memref<128xi32, #tpu.memory_space<vmem>>
      %dma_wait3A_171 = tpu.memref_slice %arg3[%add3A_24] : memref<16384xi32, #tpu.memory_space<hbm>> -> memref<128xi32, #tpu.memory_space<hbm>>
      %dma_wait3A_172 = arith.constant 0 : i32
      %dma_wait3A_173 = tpu.memref_slice %arg9[%run_scoped3A_25, %dma_wait3A_172] : memref<4x128xi32, #tpu.memory_space<vmem>> -> memref<1x128xi32, #tpu.memory_space<vmem>>
      %dma_wait3A_174 = tpu.memref_squeeze %dma_wait3A_173 : memref<1x128xi32, #tpu.memory_space<vmem>> -> memref<128xi32, #tpu.memory_space<vmem>>
      %dma_wait3A_175 = tpu.memref_slice %arg3[%add3A_24] : memref<16384xi32, #tpu.memory_space<hbm>> -> memref<128xi32, #tpu.memory_space<hbm>>
      tpu.wait_dma2 semaphore(%run_scoped3A_159 : memref<!tpu.dma_semaphore, #tpu.memory_space<semaphore_mem>>) src(%dma_wait3A_175 : memref<128xi32, #tpu.memory_space<hbm>>) dst(%dma_wait3A_174 : memref<128xi32, #tpu.memory_space<vmem>>)
      tpu.yield
    }) : () -> ()
    %dma_start3A = arith.constant 0 : i32
    %dma_start3A_26 = arith.constant 0 : i32
    %dma_start3A_27 = tpu.memref_slice %arg10[%dma_start3A_26] : memref<512xf32, #tpu.memory_space<vmem>> -> memref<128xf32, #tpu.memory_space<vmem>>
    %dma_start3A_28 = arith.constant 0 : i32
    %dma_start3A_29 = tpu.memref_slice %arg8[%dma_start3A, %dma_start3A_28] : memref<4x128xi32, #tpu.memory_space<vmem>> -> memref<1x128xi32, #tpu.memory_space<vmem>>
    %dma_start3A_30 = tpu.memref_squeeze %dma_start3A_29 : memref<1x128xi32, #tpu.memory_space<vmem>> -> memref<128xi32, #tpu.memory_space<vmem>>
    %dma_start3A_31 = arith.constant 0 : i32
    %dma_start3A_32 = tpu.memref_slice %arg4[%dma_start3A_31] : memref<1000000xf32, #tpu.memory_space<hbm>> -> memref<1000000xf32, #tpu.memory_space<hbm>>
    tpu.enqueue_indirect_dma source(%dma_start3A_32 : memref<1000000xf32, #tpu.memory_space<hbm>>) target(%dma_start3A_27 : memref<128xf32, #tpu.memory_space<vmem>>) offsets(%dma_start3A_30 : memref<128xi32, #tpu.memory_space<vmem>>) semaphore(%arg14 : memref<!tpu.dma_semaphore, #tpu.memory_space<semaphore_mem>>)
    %dma_start3A_33 = arith.constant 0 : i32
    %dma_start3A_34 = arith.constant 0 : i32
    %dma_start3A_35 = tpu.memref_slice %arg11[%dma_start3A_34] : memref<512xf32, #tpu.memory_space<vmem>> -> memref<128xf32, #tpu.memory_space<vmem>>
    %dma_start3A_36 = arith.constant 0 : i32
    %dma_start3A_37 = tpu.memref_slice %arg9[%dma_start3A_33, %dma_start3A_36] : memref<4x128xi32, #tpu.memory_space<vmem>> -> memref<1x128xi32, #tpu.memory_space<vmem>>
    %dma_start3A_38 = tpu.memref_squeeze %dma_start3A_37 : memref<1x128xi32, #tpu.memory_space<vmem>> -> memref<128xi32, #tpu.memory_space<vmem>>
    %dma_start3A_39 = arith.constant 0 : i32
    %dma_start3A_40 = tpu.memref_slice %arg5[%dma_start3A_39] : memref<100000xf32, #tpu.memory_space<hbm>> -> memref<100000xf32, #tpu.memory_space<hbm>>
    tpu.enqueue_indirect_dma source(%dma_start3A_40 : memref<100000xf32, #tpu.memory_space<hbm>>) target(%dma_start3A_35 : memref<128xf32, #tpu.memory_space<vmem>>) offsets(%dma_start3A_38 : memref<128xi32, #tpu.memory_space<vmem>>) semaphore(%arg14 : memref<!tpu.dma_semaphore, #tpu.memory_space<semaphore_mem>>)
    %dma_start3A_41 = arith.constant 1 : i32
    %dma_start3A_42 = arith.constant 128 : i32
    %dma_start3A_43 = tpu.memref_slice %arg10[%dma_start3A_42] : memref<512xf32, #tpu.memory_space<vmem>> -> memref<128xf32, #tpu.memory_space<vmem>>
    %dma_start3A_44 = arith.constant 0 : i32
    %dma_start3A_45 = tpu.memref_slice %arg8[%dma_start3A_41, %dma_start3A_44] : memref<4x128xi32, #tpu.memory_space<vmem>> -> memref<1x128xi32, #tpu.memory_space<vmem>>
    %dma_start3A_46 = tpu.memref_squeeze %dma_start3A_45 : memref<1x128xi32, #tpu.memory_space<vmem>> -> memref<128xi32, #tpu.memory_space<vmem>>
    %dma_start3A_47 = arith.constant 0 : i32
    %dma_start3A_48 = tpu.memref_slice %arg4[%dma_start3A_47] : memref<1000000xf32, #tpu.memory_space<hbm>> -> memref<1000000xf32, #tpu.memory_space<hbm>>
    tpu.enqueue_indirect_dma source(%dma_start3A_48 : memref<1000000xf32, #tpu.memory_space<hbm>>) target(%dma_start3A_43 : memref<128xf32, #tpu.memory_space<vmem>>) offsets(%dma_start3A_46 : memref<128xi32, #tpu.memory_space<vmem>>) semaphore(%arg14 : memref<!tpu.dma_semaphore, #tpu.memory_space<semaphore_mem>>)
    %dma_start3A_49 = arith.constant 1 : i32
    %dma_start3A_50 = arith.constant 128 : i32
    %dma_start3A_51 = tpu.memref_slice %arg11[%dma_start3A_50] : memref<512xf32, #tpu.memory_space<vmem>> -> memref<128xf32, #tpu.memory_space<vmem>>
    %dma_start3A_52 = arith.constant 0 : i32
    %dma_start3A_53 = tpu.memref_slice %arg9[%dma_start3A_49, %dma_start3A_52] : memref<4x128xi32, #tpu.memory_space<vmem>> -> memref<1x128xi32, #tpu.memory_space<vmem>>
    %dma_start3A_54 = tpu.memref_squeeze %dma_start3A_53 : memref<1x128xi32, #tpu.memory_space<vmem>> -> memref<128xi32, #tpu.memory_space<vmem>>
    %dma_start3A_55 = arith.constant 0 : i32
    %dma_start3A_56 = tpu.memref_slice %arg5[%dma_start3A_55] : memref<100000xf32, #tpu.memory_space<hbm>> -> memref<100000xf32, #tpu.memory_space<hbm>>
    tpu.enqueue_indirect_dma source(%dma_start3A_56 : memref<100000xf32, #tpu.memory_space<hbm>>) target(%dma_start3A_51 : memref<128xf32, #tpu.memory_space<vmem>>) offsets(%dma_start3A_54 : memref<128xi32, #tpu.memory_space<vmem>>) semaphore(%arg14 : memref<!tpu.dma_semaphore, #tpu.memory_space<semaphore_mem>>)
    %dma_start3A_57 = arith.constant 2 : i32
    %dma_start3A_58 = arith.constant 256 : i32
    %dma_start3A_59 = tpu.memref_slice %arg10[%dma_start3A_58] : memref<512xf32, #tpu.memory_space<vmem>> -> memref<128xf32, #tpu.memory_space<vmem>>
    %dma_start3A_60 = arith.constant 0 : i32
    %dma_start3A_61 = tpu.memref_slice %arg8[%dma_start3A_57, %dma_start3A_60] : memref<4x128xi32, #tpu.memory_space<vmem>> -> memref<1x128xi32, #tpu.memory_space<vmem>>
    %dma_start3A_62 = tpu.memref_squeeze %dma_start3A_61 : memref<1x128xi32, #tpu.memory_space<vmem>> -> memref<128xi32, #tpu.memory_space<vmem>>
    %dma_start3A_63 = arith.constant 0 : i32
    %dma_start3A_64 = tpu.memref_slice %arg4[%dma_start3A_63] : memref<1000000xf32, #tpu.memory_space<hbm>> -> memref<1000000xf32, #tpu.memory_space<hbm>>
    tpu.enqueue_indirect_dma source(%dma_start3A_64 : memref<1000000xf32, #tpu.memory_space<hbm>>) target(%dma_start3A_59 : memref<128xf32, #tpu.memory_space<vmem>>) offsets(%dma_start3A_62 : memref<128xi32, #tpu.memory_space<vmem>>) semaphore(%arg14 : memref<!tpu.dma_semaphore, #tpu.memory_space<semaphore_mem>>)
    %dma_start3A_65 = arith.constant 2 : i32
    %dma_start3A_66 = arith.constant 256 : i32
    %dma_start3A_67 = tpu.memref_slice %arg11[%dma_start3A_66] : memref<512xf32, #tpu.memory_space<vmem>> -> memref<128xf32, #tpu.memory_space<vmem>>
    %dma_start3A_68 = arith.constant 0 : i32
    %dma_start3A_69 = tpu.memref_slice %arg9[%dma_start3A_65, %dma_start3A_68] : memref<4x128xi32, #tpu.memory_space<vmem>> -> memref<1x128xi32, #tpu.memory_space<vmem>>
    %dma_start3A_70 = tpu.memref_squeeze %dma_start3A_69 : memref<1x128xi32, #tpu.memory_space<vmem>> -> memref<128xi32, #tpu.memory_space<vmem>>
    %dma_start3A_71 = arith.constant 0 : i32
    %dma_start3A_72 = tpu.memref_slice %arg5[%dma_start3A_71] : memref<100000xf32, #tpu.memory_space<hbm>> -> memref<100000xf32, #tpu.memory_space<hbm>>
    tpu.enqueue_indirect_dma source(%dma_start3A_72 : memref<100000xf32, #tpu.memory_space<hbm>>) target(%dma_start3A_67 : memref<128xf32, #tpu.memory_space<vmem>>) offsets(%dma_start3A_70 : memref<128xi32, #tpu.memory_space<vmem>>) semaphore(%arg14 : memref<!tpu.dma_semaphore, #tpu.memory_space<semaphore_mem>>)
    %dma_start3A_73 = arith.constant 3 : i32
    %dma_start3A_74 = arith.constant 384 : i32
    %dma_start3A_75 = tpu.memref_slice %arg10[%dma_start3A_74] : memref<512xf32, #tpu.memory_space<vmem>> -> memref<128xf32, #tpu.memory_space<vmem>>
    %dma_start3A_76 = arith.constant 0 : i32
    %dma_start3A_77 = tpu.memref_slice %arg8[%dma_start3A_73, %dma_start3A_76] : memref<4x128xi32, #tpu.memory_space<vmem>> -> memref<1x128xi32, #tpu.memory_space<vmem>>
    %dma_start3A_78 = tpu.memref_squeeze %dma_start3A_77 : memref<1x128xi32, #tpu.memory_space<vmem>> -> memref<128xi32, #tpu.memory_space<vmem>>
    %dma_start3A_79 = arith.constant 0 : i32
    %dma_start3A_80 = tpu.memref_slice %arg4[%dma_start3A_79] : memref<1000000xf32, #tpu.memory_space<hbm>> -> memref<1000000xf32, #tpu.memory_space<hbm>>
    tpu.enqueue_indirect_dma source(%dma_start3A_80 : memref<1000000xf32, #tpu.memory_space<hbm>>) target(%dma_start3A_75 : memref<128xf32, #tpu.memory_space<vmem>>) offsets(%dma_start3A_78 : memref<128xi32, #tpu.memory_space<vmem>>) semaphore(%arg14 : memref<!tpu.dma_semaphore, #tpu.memory_space<semaphore_mem>>)
    %dma_start3A_81 = arith.constant 3 : i32
    %dma_start3A_82 = arith.constant 384 : i32
    %dma_start3A_83 = tpu.memref_slice %arg11[%dma_start3A_82] : memref<512xf32, #tpu.memory_space<vmem>> -> memref<128xf32, #tpu.memory_space<vmem>>
    %dma_start3A_84 = arith.constant 0 : i32
    %dma_start3A_85 = tpu.memref_slice %arg9[%dma_start3A_81, %dma_start3A_84] : memref<4x128xi32, #tpu.memory_space<vmem>> -> memref<1x128xi32, #tpu.memory_space<vmem>>
    %dma_start3A_86 = tpu.memref_squeeze %dma_start3A_85 : memref<1x128xi32, #tpu.memory_space<vmem>> -> memref<128xi32, #tpu.memory_space<vmem>>
    %dma_start3A_87 = arith.constant 0 : i32
    %dma_start3A_88 = tpu.memref_slice %arg5[%dma_start3A_87] : memref<100000xf32, #tpu.memory_space<hbm>> -> memref<100000xf32, #tpu.memory_space<hbm>>
    tpu.enqueue_indirect_dma source(%dma_start3A_88 : memref<100000xf32, #tpu.memory_space<hbm>>) target(%dma_start3A_83 : memref<128xf32, #tpu.memory_space<vmem>>) offsets(%dma_start3A_86 : memref<128xi32, #tpu.memory_space<vmem>>) semaphore(%arg14 : memref<!tpu.dma_semaphore, #tpu.memory_space<semaphore_mem>>)
    %dma_wait3A = arith.constant 0 : i32
    %dma_wait3A_89 = arith.constant 0 : i32
    %dma_wait3A_90 = tpu.memref_slice %arg10[%dma_wait3A_89] : memref<512xf32, #tpu.memory_space<vmem>> -> memref<128xf32, #tpu.memory_space<vmem>>
    %dma_wait3A_91 = arith.constant 0 : i32
    %dma_wait3A_92 = tpu.memref_slice %arg8[%dma_wait3A, %dma_wait3A_91] : memref<4x128xi32, #tpu.memory_space<vmem>> -> memref<1x128xi32, #tpu.memory_space<vmem>>
    %dma_wait3A_93 = tpu.memref_squeeze %dma_wait3A_92 : memref<1x128xi32, #tpu.memory_space<vmem>> -> memref<128xi32, #tpu.memory_space<vmem>>
    %dma_wait3A_94 = arith.constant 0 : i32
    %dma_wait3A_95 = tpu.memref_slice %arg4[%dma_wait3A_94] : memref<1000000xf32, #tpu.memory_space<hbm>> -> memref<1000000xf32, #tpu.memory_space<hbm>>
    tpu.wait_indirect_dma semaphore(%arg14 : memref<!tpu.dma_semaphore, #tpu.memory_space<semaphore_mem>>) src(%dma_wait3A_95 : memref<1000000xf32, #tpu.memory_space<hbm>>) dst(%dma_wait3A_90 : memref<128xf32, #tpu.memory_space<vmem>>)
    %dma_wait3A_96 = arith.constant 0 : i32
    %dma_wait3A_97 = arith.constant 0 : i32
    %dma_wait3A_98 = tpu.memref_slice %arg11[%dma_wait3A_97] : memref<512xf32, #tpu.memory_space<vmem>> -> memref<128xf32, #tpu.memory_space<vmem>>
    %dma_wait3A_99 = arith.constant 0 : i32
    %dma_wait3A_100 = tpu.memref_slice %arg9[%dma_wait3A_96, %dma_wait3A_99] : memref<4x128xi32, #tpu.memory_space<vmem>> -> memref<1x128xi32, #tpu.memory_space<vmem>>
    %dma_wait3A_101 = tpu.memref_squeeze %dma_wait3A_100 : memref<1x128xi32, #tpu.memory_space<vmem>> -> memref<128xi32, #tpu.memory_space<vmem>>
    %dma_wait3A_102 = arith.constant 0 : i32
    %dma_wait3A_103 = tpu.memref_slice %arg5[%dma_wait3A_102] : memref<100000xf32, #tpu.memory_space<hbm>> -> memref<100000xf32, #tpu.memory_space<hbm>>
    tpu.wait_indirect_dma semaphore(%arg14 : memref<!tpu.dma_semaphore, #tpu.memory_space<semaphore_mem>>) src(%dma_wait3A_103 : memref<100000xf32, #tpu.memory_space<hbm>>) dst(%dma_wait3A_98 : memref<128xf32, #tpu.memory_space<vmem>>)
    %dma_wait3A_104 = arith.constant 1 : i32
    %dma_wait3A_105 = arith.constant 128 : i32
    %dma_wait3A_106 = tpu.memref_slice %arg10[%dma_wait3A_105] : memref<512xf32, #tpu.memory_space<vmem>> -> memref<128xf32, #tpu.memory_space<vmem>>
    %dma_wait3A_107 = arith.constant 0 : i32
    %dma_wait3A_108 = tpu.memref_slice %arg8[%dma_wait3A_104, %dma_wait3A_107] : memref<4x128xi32, #tpu.memory_space<vmem>> -> memref<1x128xi32, #tpu.memory_space<vmem>>
    %dma_wait3A_109 = tpu.memref_squeeze %dma_wait3A_108 : memref<1x128xi32, #tpu.memory_space<vmem>> -> memref<128xi32, #tpu.memory_space<vmem>>
    %dma_wait3A_110 = arith.constant 0 : i32
    %dma_wait3A_111 = tpu.memref_slice %arg4[%dma_wait3A_110] : memref<1000000xf32, #tpu.memory_space<hbm>> -> memref<1000000xf32, #tpu.memory_space<hbm>>
    tpu.wait_indirect_dma semaphore(%arg14 : memref<!tpu.dma_semaphore, #tpu.memory_space<semaphore_mem>>) src(%dma_wait3A_111 : memref<1000000xf32, #tpu.memory_space<hbm>>) dst(%dma_wait3A_106 : memref<128xf32, #tpu.memory_space<vmem>>)
    %dma_wait3A_112 = arith.constant 1 : i32
    %dma_wait3A_113 = arith.constant 128 : i32
    %dma_wait3A_114 = tpu.memref_slice %arg11[%dma_wait3A_113] : memref<512xf32, #tpu.memory_space<vmem>> -> memref<128xf32, #tpu.memory_space<vmem>>
    %dma_wait3A_115 = arith.constant 0 : i32
    %dma_wait3A_116 = tpu.memref_slice %arg9[%dma_wait3A_112, %dma_wait3A_115] : memref<4x128xi32, #tpu.memory_space<vmem>> -> memref<1x128xi32, #tpu.memory_space<vmem>>
    %dma_wait3A_117 = tpu.memref_squeeze %dma_wait3A_116 : memref<1x128xi32, #tpu.memory_space<vmem>> -> memref<128xi32, #tpu.memory_space<vmem>>
    %dma_wait3A_118 = arith.constant 0 : i32
    %dma_wait3A_119 = tpu.memref_slice %arg5[%dma_wait3A_118] : memref<100000xf32, #tpu.memory_space<hbm>> -> memref<100000xf32, #tpu.memory_space<hbm>>
    tpu.wait_indirect_dma semaphore(%arg14 : memref<!tpu.dma_semaphore, #tpu.memory_space<semaphore_mem>>) src(%dma_wait3A_119 : memref<100000xf32, #tpu.memory_space<hbm>>) dst(%dma_wait3A_114 : memref<128xf32, #tpu.memory_space<vmem>>)
    %dma_wait3A_120 = arith.constant 2 : i32
    %dma_wait3A_121 = arith.constant 256 : i32
    %dma_wait3A_122 = tpu.memref_slice %arg10[%dma_wait3A_121] : memref<512xf32, #tpu.memory_space<vmem>> -> memref<128xf32, #tpu.memory_space<vmem>>
    %dma_wait3A_123 = arith.constant 0 : i32
    %dma_wait3A_124 = tpu.memref_slice %arg8[%dma_wait3A_120, %dma_wait3A_123] : memref<4x128xi32, #tpu.memory_space<vmem>> -> memref<1x128xi32, #tpu.memory_space<vmem>>
    %dma_wait3A_125 = tpu.memref_squeeze %dma_wait3A_124 : memref<1x128xi32, #tpu.memory_space<vmem>> -> memref<128xi32, #tpu.memory_space<vmem>>
    %dma_wait3A_126 = arith.constant 0 : i32
    %dma_wait3A_127 = tpu.memref_slice %arg4[%dma_wait3A_126] : memref<1000000xf32, #tpu.memory_space<hbm>> -> memref<1000000xf32, #tpu.memory_space<hbm>>
    tpu.wait_indirect_dma semaphore(%arg14 : memref<!tpu.dma_semaphore, #tpu.memory_space<semaphore_mem>>) src(%dma_wait3A_127 : memref<1000000xf32, #tpu.memory_space<hbm>>) dst(%dma_wait3A_122 : memref<128xf32, #tpu.memory_space<vmem>>)
    %dma_wait3A_128 = arith.constant 2 : i32
    %dma_wait3A_129 = arith.constant 256 : i32
    %dma_wait3A_130 = tpu.memref_slice %arg11[%dma_wait3A_129] : memref<512xf32, #tpu.memory_space<vmem>> -> memref<128xf32, #tpu.memory_space<vmem>>
    %dma_wait3A_131 = arith.constant 0 : i32
    %dma_wait3A_132 = tpu.memref_slice %arg9[%dma_wait3A_128, %dma_wait3A_131] : memref<4x128xi32, #tpu.memory_space<vmem>> -> memref<1x128xi32, #tpu.memory_space<vmem>>
    %dma_wait3A_133 = tpu.memref_squeeze %dma_wait3A_132 : memref<1x128xi32, #tpu.memory_space<vmem>> -> memref<128xi32, #tpu.memory_space<vmem>>
    %dma_wait3A_134 = arith.constant 0 : i32
    %dma_wait3A_135 = tpu.memref_slice %arg5[%dma_wait3A_134] : memref<100000xf32, #tpu.memory_space<hbm>> -> memref<100000xf32, #tpu.memory_space<hbm>>
    tpu.wait_indirect_dma semaphore(%arg14 : memref<!tpu.dma_semaphore, #tpu.memory_space<semaphore_mem>>) src(%dma_wait3A_135 : memref<100000xf32, #tpu.memory_space<hbm>>) dst(%dma_wait3A_130 : memref<128xf32, #tpu.memory_space<vmem>>)
    %dma_wait3A_136 = arith.constant 3 : i32
    %dma_wait3A_137 = arith.constant 384 : i32
    %dma_wait3A_138 = tpu.memref_slice %arg10[%dma_wait3A_137] : memref<512xf32, #tpu.memory_space<vmem>> -> memref<128xf32, #tpu.memory_space<vmem>>
    %dma_wait3A_139 = arith.constant 0 : i32
    %dma_wait3A_140 = tpu.memref_slice %arg8[%dma_wait3A_136, %dma_wait3A_139] : memref<4x128xi32, #tpu.memory_space<vmem>> -> memref<1x128xi32, #tpu.memory_space<vmem>>
    %dma_wait3A_141 = tpu.memref_squeeze %dma_wait3A_140 : memref<1x128xi32, #tpu.memory_space<vmem>> -> memref<128xi32, #tpu.memory_space<vmem>>
    %dma_wait3A_142 = arith.constant 0 : i32
    %dma_wait3A_143 = tpu.memref_slice %arg4[%dma_wait3A_142] : memref<1000000xf32, #tpu.memory_space<hbm>> -> memref<1000000xf32, #tpu.memory_space<hbm>>
    tpu.wait_indirect_dma semaphore(%arg14 : memref<!tpu.dma_semaphore, #tpu.memory_space<semaphore_mem>>) src(%dma_wait3A_143 : memref<1000000xf32, #tpu.memory_space<hbm>>) dst(%dma_wait3A_138 : memref<128xf32, #tpu.memory_space<vmem>>)
    %dma_wait3A_144 = arith.constant 3 : i32
    %dma_wait3A_145 = arith.constant 384 : i32
    %dma_wait3A_146 = tpu.memref_slice %arg11[%dma_wait3A_145] : memref<512xf32, #tpu.memory_space<vmem>> -> memref<128xf32, #tpu.memory_space<vmem>>
    %dma_wait3A_147 = arith.constant 0 : i32
    %dma_wait3A_148 = tpu.memref_slice %arg9[%dma_wait3A_144, %dma_wait3A_147] : memref<4x128xi32, #tpu.memory_space<vmem>> -> memref<1x128xi32, #tpu.memory_space<vmem>>
    %dma_wait3A_149 = tpu.memref_squeeze %dma_wait3A_148 : memref<1x128xi32, #tpu.memory_space<vmem>> -> memref<128xi32, #tpu.memory_space<vmem>>
    %dma_wait3A_150 = arith.constant 0 : i32
    %dma_wait3A_151 = tpu.memref_slice %arg5[%dma_wait3A_150] : memref<100000xf32, #tpu.memory_space<hbm>> -> memref<100000xf32, #tpu.memory_space<hbm>>
    tpu.wait_indirect_dma semaphore(%arg14 : memref<!tpu.dma_semaphore, #tpu.memory_space<semaphore_mem>>) src(%dma_wait3A_151 : memref<100000xf32, #tpu.memory_space<hbm>>) dst(%dma_wait3A_146 : memref<128xf32, #tpu.memory_space<vmem>>)
    %get3A = arith.constant 0 : index
    %get3A_152 = tpu.vector_load %arg12[%get3A] {strides = array<i32>} : memref<16xf32, #tpu.memory_space<vmem>>, vector<16xf32>,
    %scan3A = arith.constant 0 : i32
    %scan3A_153 = arith.constant 0 : i32
    %scan3A_154 = arith.constant 32 : i32
    %scan3A_155 = arith.addi %scan3A_153, %scan3A_154 : i32
    %scan3A_156 = arith.constant 1 : i32
    %scan3A_157 = scf.for %scan3A_159 = %scan3A_153 to %scan3A_155 step %scan3A_156 iter_args(%scan3A_160 = %scan3A) -> (i32)  : i32 {
      %mul3A_161 = arith.constant 16 : i32
      %mul3A_162 = arith.muli %scan3A_159, %mul3A_161 : i32
      %get3A_163 = arith.index_cast %mul3A_162 : i32 to index
      %get3A_164 = tpu.vector_load %arg10[%get3A_163] {strides = array<i32>} : memref<512xf32, #tpu.memory_space<vmem>>, vector<16xf32>,
      %mul3A_165 = arith.constant 16 : i32
      %mul3A_166 = arith.muli %scan3A_159, %mul3A_165 : i32
      %get3A_167 = arith.index_cast %mul3A_166 : i32 to index
      %get3A_168 = tpu.vector_load %arg11[%get3A_167] {strides = array<i32>} : memref<512xf32, #tpu.memory_space<vmem>>, vector<16xf32>,
      %add3A_169 = arith.addf %get3A_164, %get3A_168 : vector<16xf32>
      %add3A_170 = arith.addf %add3A_169, %get3A_152 : vector<16xf32>
      %mul3A_171 = arith.constant 16 : i32
      %mul3A_172 = arith.muli %scan3A_159, %mul3A_171 : i32
      %swap3A = arith.index_cast %mul3A_172 : i32 to index
      %swap3A_173 = tpu.vector_load %arg13[%swap3A] {strides = array<i32>} : memref<512xf32, #tpu.memory_space<vmem>>, vector<16xf32>,
      tpu.vector_store %arg13[%swap3A], %add3A_170 {strides = array<i32>} : memref<512xf32, #tpu.memory_space<vmem>>, vector<16xf32>,
      %scan3A_174 = arith.constant 0 : i32
      scf.yield %scan3A_174 : i32
    }
    %scan3A_158 = arith.constant 32 : i32
    "tpu.region"() ({
      %run_scoped3A_159 = tpu.sem_alloc : memref<!tpu.dma_semaphore, #tpu.memory_space<semaphore_mem>>
      %dma_start3A_160 = tpu.memref_slice %arg7[%mul3A_2] : memref<16384xf32, #tpu.memory_space<hbm>> -> memref<512xf32, #tpu.memory_space<hbm>>
      %dma_start3A_161 = tpu.memref_slice %arg7[%mul3A_2] : memref<16384xf32, #tpu.memory_space<hbm>> -> memref<512xf32, #tpu.memory_space<hbm>>
      tpu.enqueue_dma source(%arg13 : memref<512xf32, #tpu.memory_space<vmem>>) target(%dma_start3A_161 : memref<512xf32, #tpu.memory_space<hbm>>) target_semaphore(%run_scoped3A_159 : memref<!tpu.dma_semaphore, #tpu.memory_space<semaphore_mem>>)
      %dma_wait3A_162 = tpu.memref_slice %arg7[%mul3A_2] : memref<16384xf32, #tpu.memory_space<hbm>> -> memref<512xf32, #tpu.memory_space<hbm>>
      %dma_wait3A_163 = tpu.memref_slice %arg7[%mul3A_2] : memref<16384xf32, #tpu.memory_space<hbm>> -> memref<512xf32, #tpu.memory_space<hbm>>
      tpu.wait_dma2 semaphore(%run_scoped3A_159 : memref<!tpu.dma_semaphore, #tpu.memory_space<semaphore_mem>>) src(%arg13 : memref<512xf32, #tpu.memory_space<vmem>>) dst(%dma_wait3A_163 : memref<512xf32, #tpu.memory_space<hbm>>)
      tpu.yield
    }) : () -> ()
    return
  }
}

module attributes {stable_mosaic.version = 14 : i64} {
  func.func @_score_body(%arg0: i32, %arg1: memref<8192x32xf32, #tpu.memory_space<vmem>>, %arg2: memref<1x32xf32, #tpu.memory_space<vmem>>, %arg3: memref<8192xf32, #tpu.memory_space<vmem>>) attributes {dimension_semantics = [#tpu.dimension_semantics<arbitrary>], iteration_bounds = array<i64: 123>, scalar_prefetch = 0 : i64, scratch_operands = 0 : i64, tpu.core_type = #tpu.core_type<tc>, window_params = [{transform_indices = @transform_0, window_bounds = array<i64: 8192, 32>}, {pipeline_mode = #tpu.pipeline_mode<synchronous>, transform_indices = @transform_1, window_bounds = array<i64: 1, 32>}, {transform_indices = @transform_2, window_bounds = array<i64: 8192>}]} {
    %get3A = arith.constant 0 : index
    %get3A_0 = arith.constant 0 : index
    %get3A_1 = vector.load %arg1[%get3A, %get3A_0] : memref<8192x32xf32, #tpu.memory_space<vmem>>, vector<8192x32xf32>
    %get3A_2 = arith.constant 0 : index
    %get3A_3 = arith.constant 0 : index
    %get3A_4 = vector.load %arg2[%get3A_2, %get3A_3] : memref<1x32xf32, #tpu.memory_space<vmem>>, vector<1x32xf32>
    %dot_general3A = arith.constant dense<0.000000e+00> : vector<8192x1xf32>
    %dot_general3A_5 = tpu.matmul %get3A_1, %get3A_4, %dot_general3A {dimension_numbers = #tpu.dot_dimension_numbers<[1], [1], [0], [0], [0, 0, 1, 0], [], []>, transpose_lhs_hint = false} : vector<8192x32xf32>, vector<1x32xf32>, vector<8192x1xf32> -> vector<8192x1xf32>
    %reshape3A = vector.shape_cast %dot_general3A_5 : vector<8192x1xf32> to vector<8192xf32>
    %swap3A = arith.constant 0 : index
    %swap3A_6 = vector.load %arg3[%swap3A] : memref<8192xf32, #tpu.memory_space<vmem>>, vector<8192xf32>
    tpu.vector_store %arg3[%swap3A], %reshape3A {strides = array<i32>} : memref<8192xf32, #tpu.memory_space<vmem>>, vector<8192xf32>,
    return
  }
  func.func @transform_0(%arg0: i32) -> (i32, i32) {
    %c0_i32 = arith.constant 0 : i32
    %c0_i32_0 = arith.constant 0 : i32
    return %arg0, %c0_i32 : i32, i32
  }
  func.func @transform_1(%arg0: i32) -> (i32, i32) {
    %c0_i32 = arith.constant 0 : i32
    %c0_i32_0 = arith.constant 0 : i32
    %c0_i32_1 = arith.constant 0 : i32
    return %c0_i32, %c0_i32_0 : i32, i32
  }
  func.func @transform_2(%arg0: i32) -> i32 {
    %c0_i32 = arith.constant 0 : i32
    return %arg0 : i32
  }
}

module attributes {stable_mosaic.version = 14 : i64} {
  func.func @_score_body(%arg0: i32, %arg1: memref<8192x32xf32, #tpu.memory_space<vmem>>, %arg2: memref<1x32xf32, #tpu.memory_space<vmem>>, %arg3: memref<8192xf32, #tpu.memory_space<vmem>>) attributes {dimension_semantics = [#tpu.dimension_semantics<arbitrary>], iteration_bounds = array<i64: 13>, scalar_prefetch = 0 : i64, scratch_operands = 0 : i64, tpu.core_type = #tpu.core_type<tc>, window_params = [{transform_indices = @transform_0, window_bounds = array<i64: 8192, 32>}, {pipeline_mode = #tpu.pipeline_mode<synchronous>, transform_indices = @transform_1, window_bounds = array<i64: 1, 32>}, {transform_indices = @transform_2, window_bounds = array<i64: 8192>}]} {
    %get3A = arith.constant 0 : index
    %get3A_0 = arith.constant 0 : index
    %get3A_1 = vector.load %arg1[%get3A, %get3A_0] : memref<8192x32xf32, #tpu.memory_space<vmem>>, vector<8192x32xf32>
    %get3A_2 = arith.constant 0 : index
    %get3A_3 = arith.constant 0 : index
    %get3A_4 = vector.load %arg2[%get3A_2, %get3A_3] : memref<1x32xf32, #tpu.memory_space<vmem>>, vector<1x32xf32>
    %dot_general3A = arith.constant dense<0.000000e+00> : vector<8192x1xf32>
    %dot_general3A_5 = tpu.matmul %get3A_1, %get3A_4, %dot_general3A {dimension_numbers = #tpu.dot_dimension_numbers<[1], [1], [0], [0], [0, 0, 1, 0], [], []>, transpose_lhs_hint = false} : vector<8192x32xf32>, vector<1x32xf32>, vector<8192x1xf32> -> vector<8192x1xf32>
    %reshape3A = vector.shape_cast %dot_general3A_5 : vector<8192x1xf32> to vector<8192xf32>
    %swap3A = arith.constant 0 : index
    %swap3A_6 = vector.load %arg3[%swap3A] : memref<8192xf32, #tpu.memory_space<vmem>>, vector<8192xf32>
    tpu.vector_store %arg3[%swap3A], %reshape3A {strides = array<i32>} : memref<8192xf32, #tpu.memory_space<vmem>>, vector<8192xf32>,
    return
  }
  func.func @transform_0(%arg0: i32) -> (i32, i32) {
    %c0_i32 = arith.constant 0 : i32
    %c0_i32_0 = arith.constant 0 : i32
    return %arg0, %c0_i32 : i32, i32
  }
  func.func @transform_1(%arg0: i32) -> (i32, i32) {
    %c0_i32 = arith.constant 0 : i32
    %c0_i32_0 = arith.constant 0 : i32
    %c0_i32_1 = arith.constant 0 : i32
    return %c0_i32, %c0_i32_0 : i32, i32
  }
  func.func @transform_2(%arg0: i32) -> i32 {
    %c0_i32 = arith.constant 0 : i32
    return %arg0 : i32
  }
}

</mosaic_0001>

<sc_bundles>
// kernel: _ncf.5.cloned.1.call-start
scs
__scs_entry_jumppad:
0x0: {  	(pc) =	sbr.rel $0x88, $3  }
0x1: {  	(tag) =	ssettag $0x0;
	lr =	simm.s32 $0x1  }
0x2: {  	[smem:$0x3F9B] =	sst lr;
	_ =	strace $0xD0000000  }
0x3: {  	_ = 	snop  }
0x4: {  	_ = 	snop  }
0x5: {  	_ = 	snop  }
0x6: {  	_ = 	snop  }
0x7: {  	_ = 	snop  }
__scs_overlays_trampoline_lowered:
0x8: {  	[smem:$0x3FAA] =	sst s0  }
0x9: {  	[smem:$0x3FAB] =	sst s1  }
0xa: {  	[smem:$0x3FAC] =	sst s2  }
0xb: {  	[smem:$0x3FAD] =	sst s3  }
0xc: {  	[smem:$0x3FAE] =	sst s4  }
0xd: {  	[smem:$0x3FAF] =	sst s5  }
0xe: {  	[smem:$0x3FB0] =	sst s6  }
0xf: {  	[smem:$0x3FB1] =	sst s7  }
0x10: {  	[smem:$0x3FB2] =	sst s8  }
0x11: {  	[smem:$0x3FB3] =	sst s9;
	s0 =	simm.s32 @!p0 $0x0  }
0x12: {  	s1 =	sld [smem:$0x3F99];
	s0 =	simm.s32 @p0 $0x1  }
0x13: {  	[smem:$0x3FB4] =	sst s0;
	s0 =	simm.s32 @!p1 $0x0  }
0x14: {  	s2 =	sld [smem:$0x3F98];
	s0 =	simm.s32 @p1 $0x1  }
0x15: {  	[smem:$0x3FB5] =	sst s0;
	s0 =	simm.s32 @!p2 $0x0  }
0x16: {  	s3 =	sld [smem:$0x3FDB];
	s0 =	simm.s32 @p2 $0x1  }
0x17: {  	s4 =	simm.s32 $0x1BF5;
	[smem:$0x3FB7] =	sst s0  }
0x18: {  	s0 =	sld [smem:$0x3F9A];
	_ =	swait.ge [sflag:s4], $0x0  }
0x19: {  	s7 =	sld [smem:$0x3F9B]  }
0x1a: {  	s8 =	sadd.s32 $0xFFFFE003, lr  }
0x1b: {  	s9 =	sadd.s32 $0xFFFFFEF7, lr;
	s5 =	simm.s32 $0xFFFFFFFF;
	p2 =	slt.u32 s8, $0xFFFFF086  }
0x1c: {  	p1 =	slt.u32 s9, $0xF7A;
	s5 =	simm.s32 @!p2 $0x0  }
0x1d: {  	s5 =	simm.s32 @p1 $0x1;
	p0 =	seq.s32 s7, s2  }
0x1e: {  	s7 =	smul.u32 @!p0 $0xF7A, s2;
	p2 =	seq.s32 @!p0 s5, $0x0  }
0x1f: {  	s9 =	smul.u32 $0xF7A, s1;
	s8 =	simm.s32 @!p0 $0x1BF5;
	p2 =	por !p2, p0  }
0x20: {  	[sflag:s8] =	ssyncset.s32 @!p0 $0xFFFFF086;
	s6 =	sadd.s32 @!p0 s3, s7;
	s7 =	simm.s32 @!p0 $0x108  }
0x21: {  	s3 =	sadd.s32 s3, s9;
	s6 =	sadd.s32 @!p0 $0x88, s6;
	s7 =	simm.s32 @p2 $0x1082  }
0x22: {  	[simem:s7], [sflag:s8] =	dma.local @!p0 [hbm:s6], $0xF7A  }
0x23: {  	s9 =	sor.u32 $0xD0000000, s2;
	s6 =	simm.s32 $0x108;
	_ =	swait.ge @!p0 [sflag:s8], $0x0  }
0x24: {  	s3 =	sadd.s32 $0x88, s3;
	s6 =	simm.s32 @!p1 $0x1082;
	[sflag:s4] =	ssyncset.s32 $0xFFFFF086  }
0x25: {  	[simem:s6], [sflag:s4] =	dma.local [hbm:s3], $0xF7A  }
0x26: {  	[smem:$0x3F9B] =	sst s1;
	(tag) =	ssettag s2;
	_ =	strace s9  }
0x27: {  	s1 =	sld [smem:$0x3FAB]  }
0x28: {  	s2 =	sld [smem:$0x3FAC]  }
0x29: {  	s4 =	sld [smem:$0x3FAE]  }
0x2a: {  	p0 =	seq.s32 s5, $0x0;
	s5 =	sld [smem:$0x3FAF]  }
0x2b: {  	s6 =	sld [smem:$0x3FB0]  }
0x2c: {  	s7 =	sld [smem:$0x3FB1]  }
0x2d: {  	s3 =	simm.s32 $0x108;
	s8 =	sld [smem:$0x3FB2]  }
0x2e: {  	s3 =	simm.s32 @!p0 $0x1082;
	s9 =	sld [smem:$0x3FB3]  }
0x2f: {  	lr =	sadd.s32 s0, s3;
	s0 =	sld [smem:$0x3FAA]  }
0x30: {  	s3 =	sld [smem:$0x3FAD]  }
0x31: {  	[smem:$0x3FB6] =	sst s10  }
0x32: {  	s10 =	sld [smem:$0x3FB4];
	_ =	sdelay $0x3  }
0x33: {  	p0 =	seq.s32 s10, $0x1;
	s10 =	sld [smem:$0x3FB6];
	_ =	sdelay $0x3  }
0x34: {  	[smem:$0x3FB6] =	sst s10  }
0x35: {  	s10 =	sld [smem:$0x3FB5];
	_ =	sdelay $0x3  }
0x36: {  	p1 =	seq.s32 s10, $0x1;
	s10 =	sld [smem:$0x3FB6];
	_ =	sdelay $0x3  }
0x37: {  	[smem:$0x3FB6] =	sst s10  }
0x38: {  	s10 =	sld [smem:$0x3FB7]  }
0x39: {  	_ = 	snop;
	(pc) =	sbr.ind lr, $3  }
0x3a: {  	_ = 	snop  }
0x3b: {  	_ = 	snop  }
0x3c: {  	p2 =	seq.s32 s10, $0x1;
	s10 =	sld [smem:$0x3FB6]  }
0x3d: {  	_ =	shalt  }
0x3e: {  	_ =	shalt  }
0x3f: {  	_ =	shalt  }
0x40: {  	_ =	shalt  }
0x41: {  	_ =	shalt  }
0x42: {  	_ =	shalt  }
0x43: {  	_ =	shalt  }
0x44: {  	_ =	shalt  }
0x45: {  	_ =	shalt  }
0x46: {  	_ =	shalt  }
0x47: {  	_ =	shalt  }
0x48: {  	_ =	shalt  }
0x49: {  	_ =	shalt  }
0x4a: {  	_ =	shalt  }
0x4b: {  	_ =	shalt  }
0x4c: {  	_ =	shalt  }
0x4d: {  	_ =	shalt  }
0x4e: {  	_ =	shalt  }
0x4f: {  	_ =	shalt  }
0x50: {  	_ =	shalt  }
0x51: {  	_ =	shalt  }
0x52: {  	_ =	shalt  }
0x53: {  	_ =	shalt  }
0x54: {  	_ =	shalt  }
0x55: {  	_ =	shalt  }
0x56: {  	_ =	shalt  }
0x57: {  	_ =	shalt  }
0x58: {  	_ =	shalt  }
0x59: {  	_ =	shalt  }
0x5a: {  	_ =	shalt  }
0x5b: {  	_ =	shalt  }
0x5c: {  	_ =	shalt  }
0x5d: {  	_ =	shalt  }
0x5e: {  	_ =	shalt  }
0x5f: {  	_ =	shalt  }
0x60: {  	_ =	shalt  }
0x61: {  	_ =	shalt  }
0x62: {  	_ =	shalt  }
0x63: {  	_ =	shalt  }
0x64: {  	_ =	shalt  }
0x65: {  	_ =	shalt  }
0x66: {  	_ =	shalt  }
0x67: {  	_ =	shalt  }
0x68: {  	_ =	shalt  }
0x69: {  	_ =	shalt  }
0x6a: {  	_ =	shalt  }
0x6b: {  	_ =	shalt  }
0x6c: {  	_ =	shalt  }
0x6d: {  	_ =	shalt  }
0x6e: {  	_ =	shalt  }
0x6f: {  	_ =	shalt  }
0x70: {  	_ =	shalt  }
0x71: {  	_ =	shalt  }
0x72: {  	_ =	shalt  }
0x73: {  	_ =	shalt  }
0x74: {  	_ =	shalt  }
0x75: {  	_ =	shalt  }
0x76: {  	_ =	shalt  }
0x77: {  	_ =	shalt  }
0x78: {  	_ =	shalt  }
0x79: {  	_ =	shalt  }
0x7a: {  	_ =	shalt  }
0x7b: {  	_ =	shalt  }
0x7c: {  	_ =	shalt  }
0x7d: {  	_ =	shalt  }
0x7e: {  	_ =	shalt  }
0x7f: {  	_ =	shalt  }
0x80: {  	_ =	shalt  }
0x81: {  	_ =	shalt  }
0x82: {  	_ =	shalt  }
0x83: {  	_ =	shalt  }
0x84: {  	_ =	shalt  }
0x85: {  	_ =	shalt  }
0x86: {  	_ =	shalt  }
0x87: {  	_ =	shalt  }
.Lfunc_end0:
.L_simem_size_0:
called_computation_lowered:
.L_overlay_start_0:
0x88: {  	s2 =	sld [smem:$0x3FD9]  }
0x89: {  	s3 =	sld [smem:$0x3FFE];
	_ =	sdelay $0x1  }
0x8a: {  	s1 =	srdreg.scid  }
0x8b: {  	s0 =	sand.u32 $0x1, s1  }
0x8c: {  	s17 =	sshll.u32 s0, $0xA;
	s2 =	sadd.s32 s3, s2  }
0x8d: {  	s2 =	sadd.s32 s2, s17  }
0x8e: {  	[smem:$0x3FC2] =	sst s2  }
0x8f: {  	_ = 	snop  }
0x90: {  	s2 =	sld [smem:$0x3FC9]  }
0x91: {  	s18 =	sld [smem:$0x3FC8]  }
0x92: {  	s4 =	sld [smem:$0x3FD0];
	(tm) =	ssettm $0x1  }
0x93: {  	s5 =	sld [smem:$0x3FFB];
	_ =	sdelay $0x3  }
0x94: {  	_ =	strace s5  }
0x95: {  	s5 =	sld [smem:$0x3FFC];
	_ =	sdelay $0x3  }
0x96: {  	_ =	strace s5  }
0x97: {  	s5 =	sld [smem:$0x3FFD];
	_ =	sdelay $0x3  }
0x98: {  	_ =	strace s5  }
0x99: {  	_ =	strace $0x8FFFFFFF  }
0x9a: {  	s19 =	sld [smem:$0x3FDB];
	_ =	sdelay $0x1  }
0x9b: {  	s6 =	simm.s32 $_scs_section_size  }
0x9c: {  	s7 =	simm.s32 $_size__tile_overlayer_lowered;
	s8 =	simm.s32 $_tile_overlayer_lowered  }
0x9d: {  	s22 =	simm.s32 $0x1BFF;
	s21 =	sshll.u32 s8, $0x1;
	s5 =	sadd.s32 s6, s19  }
0x9e: {  	s9 =	simm.s32 $0x0;
	s20 =	sshll.u32 s7, $0x1;
	s7 =	sadd.s32 s21, s5  }
0x9f: {  	[timem:s9], [sflag:s22] =	dma.local [hbm:s7], s20  }
0xa0: {  	_ =	swait.ge [sflag:s22], s20  }
0xa1: {  	s6 =	ssub.s32 $0x0, s20;
	[sflag:s22] =	ssyncset.done $0x0  }
0xa2: {  	[sflag:s22] =	ssyncadd.s32 s6;
	_ =	sdelay $0x1  }
0xa3: {  	s23 =	simm.s32 $0x1B8B  }
0xa4: {  	_ =	swait.ge [sflag:s23], $0x1  }
0xa5: {  	[sflag:s23] =	ssyncset.done $0x0  }
0xa6: {  	s25 =	simm.s32 $0x1B8E;
	s24 =	sld [smem:$0x3FFE];
	[sflag:s23] =	ssyncadd.s32 $0xFFFFFFFF  }
0xa7: {  	s26 =	simm.s32 $execute0_lowered;
	[smem:$0x3FD2] =	sst s25  }
0xa8: {  	s7 =	sshll.u32 s26, $0x1;
	_ =	strace $0x80000046;
	[dreg:$0x1] =	wrdreg $0xFFFFFFFF  }
0xa9: {  	s28 =	simm.s32 $_size_execute0_lowered;
	s5 =	sadd.s32 s5, s7;
	[dreg:$0x0] =	wrdreg $0x0  }
0xaa: {  	s7 =	sshll.u32 s28, $0x1;
	[dreg:$0x2] =	wrdreg s5  }
0xab: {  	[dreg:$0x3] =	wrdreg s7  }
0xac: {  	[dreg:$0x4] =	wrdreg $0xC0  }
0xad: {  	_ =	task [dreg:s9], $0x5FFFF  }
0xae: {  	[dreg:$0x1] =	wrdreg $0xFFFFFFFF  }
0xaf: {  	[dreg:$0x0] =	wrdreg $0x60  }
0xb0: {  	[dreg:$0x2] =	wrdreg s2  }
0xb1: {  	[dreg:$0x3] =	wrdreg s18  }
0xb2: {  	[dreg:$0x4] =	wrdreg s24  }
0xb3: {  	[dreg:$0x5] =	wrdreg s4  }
0xb4: {  	[dreg:$0x6] =	wrdreg $0x9  }
0xb5: {  	_ =	task.clear_ibuf [dreg:s9], $0x7FFFF;
	_ =	strace $0x90000046  }
0xb6: {  	s29 =	simm.s32 $0x9;
	_ =	strace $0x80000048  }
0xb7: {  	_ =	swait.ge [sflag:s29], $0x1  }
0xb8: {  	[sflag:s29] =	ssyncadd.s32 $0xFFFFFFFF  }
0xb9: {  	_ =	strace $0x90000048  }
0xba: {  	_ =	sfence  }
0xbb: {  	s30 =	sld [smem:$0x0];
	_ =	sdelay $0x2  }
0xbc: {  	s31 =	sshll.u32 s1, $0xD;
	s1 =	sshrl.u32 s1, $0x2  }
0xbd: {  	s3 =	sand.u32 $0x4000, s31;
	s1 =	sadd.s32 s1, s30  }
0xbe: {  	s0 =	sor.u32 s3, s0;
	s1 =	sshll.u32 s1, $0x11  }
0xbf: {  	s0 =	sor.u32 s1, s0  }
0xc0: {  	s0 =	sadd.s32 $0x8F2B, s0  }
0xc1: {  	[sflag:s0] =	ssyncadd.remote.s32 $0x1  }
0xc2: {  	_ =	sfence.sel $0xFFFF  }
0xc3: {  	[dreg:$0x0] =	wrdreg $0xFFFFFFFF;
	(pc) =	sbr.abs _section_cstart, $3  }
0xc4: {  	[dreg:$0x1] =	wrdreg $0xFFFFFFFF  }
0xc5: {  	_ =	task.clear_ibuf [dreg:s9], $0x2FFFF;
	_ =	strace $0x9FFFFFFF  }
0xc6: {  	(tm) =	ssettm $0x7FFFFFFF  }
0xc7: {  	_ =	shalt  }
tec
execute0_lowered:
.L_overlay_start_1:
0x0: {  	(tag) =	ssettag $0x1  }
0x1: {  	s0 =	rddreg [dreg:$0x0]  }
0x2: {  	s2 =	rddreg [dreg:$0x1]  }
0x3: {  	s5 =	rddreg [dreg:$0x2]  }
0x4: {  	s14 =	rddreg [dreg:$0x3]  }
0x5: {  	s1 =	simm.s32 $0x0;
	s4 =	srdreg.scid;
	s9 =	stileid.u32  }
0x6: {  	s17 =	simm.s32 $0x2;
	s18 =	simm.s32 $0x200;
	s19 =	simm.s32 $0x80  }
0x7: {  	s20 =	simm.s32 $0x280;
	s21 =	simm.s32 $0x100;
	s22 =	simm.s32 $0x300  }
0x8: {  	s23 =	simm.s32 $0x180;
	s24 =	simm.s32 $0x380;
	s31 =	simm.s32 $0x700  }
0x9: {  	s25 =	simm.s32 $0x880;
	s26 =	simm.s32 $0x0;
	[smem:$0x7FF] =	sst s1  }
0xa: {  	s3 =	sadd.s32 $0x1000, s5;
	s6 =	sand.u32 $0x1, s4;
	s4 =	sadd.s32 $0x1FA00, s5  }
0xb: {  	s9 =	sshll.u32 s9, $0x7;
	s7 =	ssub.s32 $0x2, s6;
	s6 =	sshll.u32 s6, $0x6  }
0xc: {  	s5 =	sadd.s32 $0x22C00, s5;
	s8 =	sshrl.u32 s7, $0x1;
	s16 =	sor.u32 s6, s9  }
0xd: {  	_ =	strace $0x80000047;
	s15 =	ssub.s32 s7, s8;
	s6 =	sadd.s32 s0, s16  }
0xe: {  	s7 =	sadd.s32 s2, s16;
	s9 =	sor.u32 $0x10, s16;
	s11 =	sor.u32 $0x20, s16  }
0xf: {  	s13 =	sor.u32 $0x30, s16;
	s14 =	sadd.s32 s14, s16;
	s16 =	simm.s32 $0x1  }
0x10: {  	s8 =	sadd.s32 s0, s9;
	s9 =	sadd.s32 s2, s9;
	s10 =	sadd.s32 s0, s11  }
0x11: {  	s11 =	sadd.s32 s2, s11;
	s12 =	sadd.s32 s0, s13;
	s13 =	sadd.s32 s2, s13  }
0x12: {  	s15 =	smax.u32 s15, $0x1;
	s0 =	simm.s32 $0x580;
	s2 =	simm.s32 $0x780  }
.LBB2_1:
0x13: {  	s28 =	simm.s32 $0x800  }
0x14: {  	[tilespmem:s28], [sflag:$0x2] =	stream.linear.gather [hbm4b:s5+s1], $0x80, $0x38;
	[tilespmem:$0xA80] =	vst v63  }
0x15: {  	_ =	swait.ge [sflag:s17], $0x80  }
0x16: {  	[sflag:s17] =	ssyncset.done $0x0  }
0x17: {  	[sflag:s17] =	ssyncadd.s32 $0xFFFFFF80  }
0x18: {  	[tilespmem:s1], [sflag:$0x2] =	stream.linear.gather [hbm4b:s6+s1], $0x80, $0x38;
	[tilespmem:$0xA80] =	vst v63  }
0x19: {  	_ =	swait.ge [sflag:s17], $0x80  }
0x1a: {  	[sflag:s17] =	ssyncset.done $0x0  }
0x1b: {  	[sflag:s17] =	ssyncadd.s32 $0xFFFFFF80  }
0x1c: {  	[tilespmem:s18], [sflag:$0x2] =	stream.linear.gather [hbm4b:s7+s1], $0x80, $0x38;
	[tilespmem:$0xA80] =	vst v63  }
0x1d: {  	_ =	swait.ge [sflag:s17], $0x80  }
0x1e: {  	[sflag:s17] =	ssyncset.done $0x0  }
0x1f: {  	[sflag:s17] =	ssyncadd.s32 $0xFFFFFF80  }
0x20: {  	[tilespmem:s19], [sflag:$0x2] =	stream.linear.gather [hbm4b:s8+s1], $0x80, $0x38;
	[tilespmem:$0xA80] =	vst v63  }
0x21: {  	_ =	swait.ge [sflag:s17], $0x80  }
0x22: {  	[sflag:s17] =	ssyncset.done $0x0  }
0x23: {  	[sflag:s17] =	ssyncadd.s32 $0xFFFFFF80  }
0x24: {  	[tilespmem:s20], [sflag:$0x2] =	stream.linear.gather [hbm4b:s9+s1], $0x80, $0x38;
	[tilespmem:$0xA80] =	vst v63  }
0x25: {  	_ =	swait.ge [sflag:s17], $0x80  }
0x26: {  	[sflag:s17] =	ssyncset.done $0x0  }
0x27: {  	[sflag:s17] =	ssyncadd.s32 $0xFFFFFF80  }
0x28: {  	[tilespmem:s21], [sflag:$0x2] =	stream.linear.gather [hbm4b:s10+s1], $0x80, $0x38;
	[tilespmem:$0xA80] =	vst v63  }
0x29: {  	_ =	swait.ge [sflag:s17], $0x80  }
0x2a: {  	[sflag:s17] =	ssyncset.done $0x0  }
0x2b: {  	[sflag:s17] =	ssyncadd.s32 $0xFFFFFF80  }
0x2c: {  	[tilespmem:s22], [sflag:$0x2] =	stream.linear.gather [hbm4b:s11+s1], $0x80, $0x38;
	[tilespmem:$0xA80] =	vst v63  }
0x2d: {  	_ =	swait.ge [sflag:s17], $0x80  }
0x2e: {  	[sflag:s17] =	ssyncset.done $0x0  }
0x2f: {  	[sflag:s17] =	ssyncadd.s32 $0xFFFFFF80  }
0x30: {  	[tilespmem:s23], [sflag:$0x2] =	stream.linear.gather [hbm4b:s12+s1], $0x80, $0x38;
	[tilespmem:$0xA80] =	vst v63  }
0x31: {  	_ =	swait.ge [sflag:s17], $0x80  }
0x32: {  	[sflag:s17] =	ssyncset.done $0x0  }
0x33: {  	[sflag:s17] =	ssyncadd.s32 $0xFFFFFF80  }
0x34: {  	[tilespmem:s24], [sflag:$0x2] =	stream.linear.gather [hbm4b:s13+s1], $0x80, $0x38;
	[tilespmem:$0xA80] =	vst v63  }
0x35: {  	_ =	swait.ge [sflag:s17], $0x80  }
0x36: {  	[sflag:s17] =	ssyncset.done $0x0  }
0x37: {  	s28 =	simm.s32 $0x400;
	[sflag:s17] =	ssyncadd.s32 $0xFFFFFF80  }
0x38: {  	[tilespmem:s28], [sflag:$0x1] =	stream.indirect.gather [hbm4b:s3+s19], $0x1, s1, s19, $0xb8;
	[tilespmem:$0xA80] =	vst v63  }
0x39: {  	s28 =	simm.s32 $0x600  }
0x3a: {  	[tilespmem:s28], [sflag:$0x1] =	stream.indirect.gather [hbm4b:s4+s19], $0x1, s18, s19, $0xb8;
	[tilespmem:$0xA80] =	vst v63  }
0x3b: {  	s28 =	simm.s32 $0x480  }
0x3c: {  	[tilespmem:s28], [sflag:$0x1] =	stream.indirect.gather [hbm4b:s3+s19], $0x1, s19, s19, $0xb8;
	[tilespmem:$0xA80] =	vst v63  }
0x3d: {  	s28 =	simm.s32 $0x680  }
0x3e: {  	[tilespmem:s28], [sflag:$0x1] =	stream.indirect.gather [hbm4b:s4+s19], $0x1, s20, s19, $0xb8;
	[tilespmem:$0xA80] =	vst v63  }
0x3f: {  	s28 =	simm.s32 $0x500  }
0x40: {  	[tilespmem:s28], [sflag:$0x1] =	stream.indirect.gather [hbm4b:s3+s19], $0x1, s21, s19, $0xb8;
	[tilespmem:$0xA80] =	vst v63  }
0x41: {  	_ = 	snop  }
0x42: {  	[tilespmem:s31], [sflag:$0x1] =	stream.indirect.gather [hbm4b:s4+s19], $0x1, s22, s19, $0xb8;
	[tilespmem:$0xA80] =	vst v63  }
0x43: {  	_ = 	snop  }
0x44: {  	[tilespmem:s0], [sflag:$0x1] =	stream.indirect.gather [hbm4b:s3+s19], $0x1, s23, s19, $0xb8;
	[tilespmem:$0xA80] =	vst v63  }
0x45: {  	_ = 	snop  }
0x46: {  	[tilespmem:s2], [sflag:$0x1] =	stream.indirect.gather [hbm4b:s4+s19], $0x1, s24, s19, $0xb8;
	[tilespmem:$0xA80] =	vst v63  }
0x47: {  	_ =	swait.ge [sflag:s16], $0x80  }
0x48: {  	[sflag:s16] =	ssyncset.done $0x0  }
0x49: {  	[sflag:s16] =	ssyncadd.s32 $0xFFFFFF80  }
0x4a: {  	_ =	swait.ge [sflag:s16], $0x80  }
0x4b: {  	[sflag:s16] =	ssyncset.done $0x0  }
0x4c: {  	[sflag:s16] =	ssyncadd.s32 $0xFFFFFF80  }
0x4d: {  	_ =	swait.ge [sflag:s16], $0x80  }
0x4e: {  	[sflag:s16] =	ssyncset.done $0x0  }
0x4f: {  	[sflag:s16] =	ssyncadd.s32 $0xFFFFFF80  }
0x50: {  	_ =	swait.ge [sflag:s16], $0x80  }
0x51: {  	[sflag:s16] =	ssyncset.done $0x0  }
0x52: {  	[sflag:s16] =	ssyncadd.s32 $0xFFFFFF80  }
0x53: {  	_ =	swait.ge [sflag:s16], $0x80  }
0x54: {  	[sflag:s16] =	ssyncset.done $0x0  }
0x55: {  	[sflag:s16] =	ssyncadd.s32 $0xFFFFFF80  }
0x56: {  	_ =	swait.ge [sflag:s16], $0x80  }
0x57: {  	[sflag:s16] =	ssyncset.done $0x0  }
0x58: {  	[sflag:s16] =	ssyncadd.s32 $0xFFFFFF80  }
0x59: {  	_ =	swait.ge [sflag:s16], $0x80  }
0x5a: {  	[sflag:s16] =	ssyncset.done $0x0  }
0x5b: {  	[sflag:s16] =	ssyncadd.s32 $0xFFFFFF80  }
0x5c: {  	_ =	swait.ge [sflag:s16], $0x80  }
0x5d: {  	[sflag:s16] =	ssyncset.done $0x0  }
0x5e: {  	s28 =	simm.s32 $0x0;
	[sflag:s16] =	ssyncadd.s32 $0xFFFFFF80  }
0x5f: {  	v1 =	vld [tilespmem:s28+$0x400]  }
0x60: {  	v2 =	vld [tilespmem:s28+$0x600];
	_ =	sdelay $0x1  }
0x61: {  	v0 =	vld [tilespmem:$0x800]  }
0x62: {  	s29 =	simm.s32 $0x40  }
.LBB2_2:
0x63: {  	s30 =	sshra.s32 s29, $0x2;
	p0 =	sne.s32 s29, $0x7C0  }
.Ltmp0:
0x64: {  	s29 =	sadd.s32 $0x40, s29;
	v3 =	vadd.f32 v2, v1;
	v1 =	vld [tilespmem:s30+$0x400];
	(pc) =	sbr.rel @p0 .LBB2_2-.Ltmp0, $3  }
0x65: {  	v2 =	vld [tilespmem:s30+$0x600]  }
0x66: {  	v3 =	vadd.f32 v3, v0;
	_ =	sdelay $0x1  }
0x67: {  	[tilespmem:s28+$0x880] =	vst v3;
	s28 =	smov.u32 s30  }
0x68: {  	_ = 	snop  }
0x69: {  	v1 =	vadd.f32 v2, v1;
	_ =	sdelay $0x1  }
0x6a: {  	s26 =	sadd.s32 $0x1, s26;
	v0 =	vadd.f32 v1, v0  }
0x6b: {  	p0 =	sne.s32 s26, s15  }
.Ltmp1:
0x6c: {  	[tilespmem:s28+$0x880] =	vst v0;
	(pc) =	sbr.rel @p0 .LBB2_1-.Ltmp1, $4  }
0x6d: {  	[hbm4b:s14+s1] =	stream.linear.scatter [tilespmem:s25], [sflag:$0x2], $0x200, $0x38;
	[tilespmem:$0xA80] =	vst v63  }
0x6e: {  	_ =	swait.ge [sflag:s17], $0x200  }
0x6f: {  	[sflag:s17] =	ssyncset.done $0x0  }
0x70: {  	[sflag:s17] =	ssyncadd.s32 $0xFFFFFE00  }
0x71: {  	_ =	sfence.sel $0x180000  }
0x72: {  	[bflag:$0x0] =	sbarrier.arrive $0xFFFF  }
0x73: {  	_ =	strace $0x90000047  }
0x74: {  	s0 =	stileid.u32;
	[bflag:$0x2] =	sbarrier.arrive $0xFFFF  }
0x75: {  	p0 =	sne.s32 s0, $0x0;
	s0 =	rddreg [dreg:$0x4]  }
0x76: {  	s0 =	sadd.s32 @!p0 $0x100000, s0  }
0x77: {  	[sflag:s0] =	ssyncadd.tile.s32 @!p0 $0x1;
	_ =	shalt  }
.Lfunc_end2:
_tile_overlayer_lowered:
.L_overlay_start_2:
0x78: {  	(tag) =	ssettag $0x2  }
0x79: {  	s0 =	rddreg [dreg:$0x0];
	s2 =	stileid.u32  }
0x7a: {  	s1 =	rddreg [dreg:$0x1];
	p0 =	sne.s32 s2, $0x0  }
0x7b: {  	s3 =	rddreg [dreg:$0x2];
	[bflag:$0x3] =	sbarrier.arrive $0xFFFF;
	s2 =	simm.s32 @!p0 $0x1C02  }
0x7c: {  	[timem:s3], [sflag:s2] =	dma.local @!p0 [hbm:s0], s1  }
0x7d: {  	s0 =	simm.s32 @!p0 $0x2  }
0x7e: {  	_ =	swait.ge @!p0 [sflag:s0], s1  }
0x7f: {  	s1 =	ssub.s32 @!p0 $0x0, s1;
	[sflag:s0] =	ssyncset.done @!p0 $0x0  }
0x80: {  	[sflag:s0] =	ssyncadd.s32 @!p0 s1  }
0x81: {  	[bflag:$0x3] =	sbarrier.arrive $0xFFFF  }
0x82: {  	_ =	shalt  }

</sc_bundles>
